<compile_context>
chip_gen: v7x
topology: tpu7x:2x2x1
jax: 0.10.2.dev20260603
libtpu: 0.0.44.dev20260713+nightly
codegen_flags: <defaults>
</compile_context>

<pallas_src>
import jax
import jax.numpy as jnp
from jax import lax
from jax.experimental import pallas as pl
from jax.experimental.pallas import tpu as pltpu
from jax.experimental.pallas import tpu_sc as plsc

N = 10000
NPAD = 10240
E = 320000
D = 128
NC = 2
NS = 16
NW = NC * NS
EPT = E // NW
C = 80
EPC = E // NS
RPT = NPAD // NS
NCHUNK = EPT // C

_mesh = plsc.VectorSubcoreMesh(core_axis_name="c", subcore_axis_name="s",
                               num_cores=NC, num_subcores=NS)


def _degree_body(edges_hbm, zeros_hbm, deg_hbm,
                 sidx0, sidx1, ones_v, acc, is0, is1):
    cid = lax.axis_index("c")
    sid = lax.axis_index("s")
    base = cid * E + sid * EPC
    row0 = sid * RPT
    pltpu.sync_copy(zeros_hbm.at[pl.ds(row0, RPT)], acc.at[pl.ds(row0, RPT)])
    ones = jnp.full((16,), 1.0, dtype=jnp.float32)

    @pl.loop(0, C)
    def _(r):
        for k in range(D // 16):
            ones_v[r, pl.ds(k * 16, 16)] = ones

    sxs = (sidx0, sidx1)
    iss = (is0, is1)
    NDCH = EPC // C

    def idx_issue(i, j):
        pltpu.async_copy(edges_hbm.at[pl.ds(base + i * C, C)], sxs[j], iss[j])

    def idx_wait(j):
        pltpu.make_async_copy(edges_hbm.at[pl.ds(0, C)], sxs[j], iss[j]).wait()

    idx_issue(0, 0)
    plsc.subcore_barrier()

    @pl.loop(0, NDCH, step=2)
    def _(a):
        idx_issue(a + 1, 1)
        idx_wait(0)
        pltpu.sync_copy(ones_v, acc.at[sidx0], add=True)
        idx_issue(jnp.minimum(a + 2, NDCH - 1), 0)
        idx_wait(1)
        pltpu.sync_copy(ones_v, acc.at[sidx1], add=True)

    idx_wait(0)
    plsc.subcore_barrier()
    pltpu.sync_copy(acc.at[pl.ds(row0, RPT)], deg_hbm.at[cid, pl.ds(row0, RPT)])


_deg_call = pl.kernel(
    _degree_body,
    out_type=jax.ShapeDtypeStruct((NC, NPAD, D), jnp.float32),
    mesh=_mesh,
    scratch_types=[
        pltpu.VMEM((C,), jnp.int32),
        pltpu.VMEM((C,), jnp.int32),
        pltpu.VMEM((C, D), jnp.float32),
        pltpu.VMEM_SHARED((NPAD, D), jnp.float32),
        pltpu.SemaphoreType.DMA,
        pltpu.SemaphoreType.DMA,
    ],
)


def _agg_body(x_hbm, src_hbm, dst_hbm, zeros_hbm, out_hbm,
              sidx0, didx0, sidx1, didx1, rows0, rows1, acc, gs0, gs1):
    cid = lax.axis_index("c")
    sid = lax.axis_index("s")
    base = (cid * NS + sid) * EPT
    row0 = sid * RPT
    pltpu.sync_copy(zeros_hbm.at[pl.ds(row0, RPT)], acc.at[pl.ds(row0, RPT)])

    sxs = (sidx0, sidx1)
    dxs = (didx0, didx1)
    rbs = (rows0, rows1)
    gss = (gs0, gs1)

    def idx_sync(i, j):
        pltpu.sync_copy(src_hbm.at[pl.ds(base + i * C, C)], sxs[j])
        pltpu.sync_copy(dst_hbm.at[pl.ds(base + i * C, C)], dxs[j])

    def gather_issue(j):
        pltpu.async_copy(x_hbm.at[sxs[j]], rbs[j], gss[j])

    def gather_wait(j):
        pltpu.make_async_copy(x_hbm.at[pl.ds(0, C)], rbs[j], gss[j]).wait()

    def scatter(j):
        pltpu.sync_copy(rbs[j], acc.at[dxs[j]], add=True)

    idx_sync(0, 0)
    gather_issue(0)
    plsc.subcore_barrier()

    @pl.loop(0, NCHUNK - 1, step=2)
    def _(a):
        idx_sync(a + 1, 1)
        gather_issue(1)
        gather_wait(0)
        scatter(0)
        idx_sync(a + 2, 0)
        gather_issue(0)
        gather_wait(1)
        scatter(1)

    gather_wait(0)
    scatter(0)
    plsc.subcore_barrier()
    pltpu.sync_copy(acc.at[pl.ds(row0, RPT)], out_hbm.at[cid, pl.ds(row0, RPT)])


_agg_call = pl.kernel(
    _agg_body,
    out_type=jax.ShapeDtypeStruct((NC, NPAD, D), jnp.float32),
    mesh=_mesh,
    scratch_types=[
        pltpu.VMEM((C,), jnp.int32),
        pltpu.VMEM((C,), jnp.int32),
        pltpu.VMEM((C,), jnp.int32),
        pltpu.VMEM((C,), jnp.int32),
        pltpu.VMEM((C, D), jnp.float32),
        pltpu.VMEM((C, D), jnp.float32),
        pltpu.VMEM_SHARED((NPAD, D), jnp.float32),
        pltpu.SemaphoreType.DMA,
        pltpu.SemaphoreType.DMA,
    ],
)


def _prep_body(feat_ref, deg_ref, xs_ref, ns_ref, nd_ref):
    d_o = deg_ref[0, :N, 0:1]
    d_i = deg_ref[1, :N, 0:1]
    ns = jnp.where(d_o > 0, lax.rsqrt(d_o), 0.0)
    nd = jnp.where(d_i > 0, lax.rsqrt(d_i), 0.0)
    ns_ref[...] = ns
    nd_ref[...] = nd
    xs_ref[...] = feat_ref[...] * ns


_prep_call = pl.pallas_call(
    _prep_body,
    out_shape=(jax.ShapeDtypeStruct((N, D), jnp.float32),
               jax.ShapeDtypeStruct((N, 1), jnp.float32),
               jax.ShapeDtypeStruct((N, 1), jnp.float32)),
)


def _layer1_body(p_ref, nd_ref, ns_ref, w_ref, b_ref, o_ref):
    t = (p_ref[0, :N] + p_ref[1, :N]) * nd_ref[...]
    h = jnp.dot(t, w_ref[...], preferred_element_type=jnp.float32) + b_ref[...]
    o_ref[...] = jnp.maximum(h, 0.0) * ns_ref[...]


_layer1_call = pl.pallas_call(
    _layer1_body,
    out_shape=jax.ShapeDtypeStruct((N, D), jnp.float32),
)


def _layer2_body(p_ref, nd_ref, w_ref, b_ref, o_ref):
    t = (p_ref[0, :N] + p_ref[1, :N]) * nd_ref[...]
    o_ref[...] = jnp.dot(t, w_ref[...], preferred_element_type=jnp.float32) + b_ref[...]


_layer2_call = pl.pallas_call(
    _layer2_body,
    out_shape=jax.ShapeDtypeStruct((N, D), jnp.float32),
)


def kernel(feat, edge_index, W1, b1, W2, b2):
    src = edge_index[0].astype(jnp.int32)
    dst = edge_index[1].astype(jnp.int32)
    zeros_nd = jnp.zeros((NPAD, D), jnp.float32)

    deg = _deg_call(edge_index.reshape(-1).astype(jnp.int32), zeros_nd)
    xs, ns, nd = _prep_call(feat, deg)
    p1 = _agg_call(xs, src, dst, zeros_nd)
    x2 = _layer1_call(p1, nd, ns, W1, b1.reshape(1, D))
    p2 = _agg_call(x2, src, dst, zeros_nd)
    return _layer2_call(p2, nd, W2, b2.reshape(1, D))

# --- scband reference (transcript-rebuilt; emitter-appended) ---
"""Pipeline reference for scband-gcn-76295799046850 (READ-ONLY COPY).

The authoritative reference and input builder live on the scoring server;
editing this copy changes nothing except your own understanding.
"""

import jax, jax.numpy as jnp
import numpy as np

N = 10000
E = 320000
IN_DIM = 128
HID_DIM = 128
OUT_DIM = 128


def setup_inputs(seed: int = 0) -> dict:
    key = jax.random.key(seed)
    k1, k2, k3, k4, k5, k6 = jax.random.split(key, 6)
    feat = jax.random.normal(k1, (N, IN_DIM), dtype=jnp.float32)
    edge_index = jax.random.randint(k2, (2, E), 0, N)
    # Xavier-style init for GraphConv weights (shape [in, out] as in DGL GraphConv)
    s1 = (6.0 / (IN_DIM + HID_DIM)) ** 0.5
    s2 = (6.0 / (HID_DIM + OUT_DIM)) ** 0.5
    W1 = jax.random.uniform(k3, (IN_DIM, HID_DIM), dtype=jnp.float32, minval=-s1, maxval=s1)
    b1 = jnp.zeros((HID_DIM,), dtype=jnp.float32)
    W2 = jax.random.uniform(k4, (HID_DIM, OUT_DIM), dtype=jnp.float32, minval=-s2, maxval=s2)
    b2 = jnp.zeros((OUT_DIM,), dtype=jnp.float32)
    return {"feat": feat, "edge_index": edge_index, "W1": W1, "b1": b1, "W2": W2, "b2": b2}


def _graph_conv(x, src, dst, W, b, n, activation):
    # DGL GraphConv with norm='both': D_in^{-1/2} A D_out^{-1/2} X W + b
    ones = jnp.ones((src.shape[0],), dtype=x.dtype)
    deg_out = jax.ops.segment_sum(ones, src, num_segments=n)
    deg_in = jax.ops.segment_sum(ones, dst, num_segments=n)
    norm_src = jnp.where(deg_out > 0, deg_out ** -0.5, 0.0)
    norm_dst = jnp.where(deg_in > 0, deg_in ** -0.5, 0.0)
    h = x * norm_src[:, None]
    m = jnp.take(h, src, axis=0)
    agg = jax.ops.segment_sum(m, dst, num_segments=n)
    h = agg * norm_dst[:, None]
    h = h @ W + b
    if activation:
        h = jax.nn.relu(h)
    return h


def reference(feat, edge_index, W1, b1, W2, b2):
    src = edge_index[0]
    dst = edge_index[1]
    h = _graph_conv(feat, src, dst, W1, b1, N, True)
    # dropout p=0.0 -> identity (eval-mode semantics)
    h = _graph_conv(h, src, dst, W2, b2, N, False)
    return h

if __name__ == "__main__":
    import jax
    _d = setup_inputs()
    print(jax.jit(kernel)(*tuple(_d.values())))

</pallas_src>

<mosaic_0001>
#map = affine_map<(d0, d1) -> (0, 0)>
#map1 = affine_map<(d0, d1) -> (0)>
#map2 = affine_map<(d0, d1) -> (0, 0, 0)>
module attributes {stable_mosaic.version = 14 : i64} {
  func.func @_agg_body(%arg0: i32, %arg1: i32, %arg2: memref<10000x128xf32, #tpu.memory_space<hbm>>, %arg3: memref<320000xi32, #tpu.memory_space<hbm>>, %arg4: memref<320000xi32, #tpu.memory_space<hbm>>, %arg5: memref<10240x128xf32, #tpu.memory_space<hbm>>, %arg6: memref<2x10240x128xf32, #tpu.memory_space<hbm>>, %arg7: memref<80xi32, #tpu.memory_space<vmem>>, %arg8: memref<80xi32, #tpu.memory_space<vmem>>, %arg9: memref<80xi32, #tpu.memory_space<vmem>>, %arg10: memref<80xi32, #tpu.memory_space<vmem>>, %arg11: memref<80x128xf32, #tpu.memory_space<vmem>>, %arg12: memref<80x128xf32, #tpu.memory_space<vmem>>, %arg13: memref<10240x128xf32, #tpu.memory_space<vmem_shared>>, %arg14: memref<!tpu.dma_semaphore, #tpu.memory_space<semaphore_mem>>, %arg15: memref<!tpu.dma_semaphore, #tpu.memory_space<semaphore_mem>>) attributes {dimension_semantics = [#tpu.dimension_semantics<core_parallel>, #tpu.dimension_semantics<subcore_parallel>], iteration_bounds = array<i64: 2, 16>, scalar_prefetch = 0 : i64, scratch_operands = 9 : i64, tpu.core_type = #tpu.core_type<sc_vector_subcore>, window_params = [{transform_indices = #map}, {transform_indices = #map1}, {transform_indices = #map1}, {transform_indices = #map}, {transform_indices = #map2}]} {
    %mul3A = arith.constant 16 : i32
    %mul3A_0 = arith.muli %arg0, %mul3A : i32
    %add3A = arith.addi %mul3A_0, %arg1 : i32
    %mul3A_1 = arith.constant 10000 : i32
    %mul3A_2 = arith.muli %add3A, %mul3A_1 : i32
    %mul3A_3 = arith.constant 640 : i32
    %mul3A_4 = arith.muli %arg1, %mul3A_3 : i32
    "tpu.region"() ({
      %run_scoped3A = tpu.sem_alloc : memref<!tpu.dma_semaphore, #tpu.memory_space<semaphore_mem>>
      %dma_start3A_21 = arith.constant 0 : i32
      %dma_start3A_22 = tpu.memref_slice %arg13[%mul3A_4, %dma_start3A_21] : memref<10240x128xf32, #tpu.memory_space<vmem_shared>> -> memref<640x128xf32, #tpu.memory_space<vmem_shared>>
      %dma_start3A_23 = arith.constant 0 : i32
      %dma_start3A_24 = tpu.memref_slice %arg5[%mul3A_4, %dma_start3A_23] : memref<10240x128xf32, #tpu.memory_space<hbm>> -> memref<640x128xf32, #tpu.memory_space<hbm>>
      tpu.enqueue_dma source(%dma_start3A_24 : memref<640x128xf32, #tpu.memory_space<hbm>>) target(%dma_start3A_22 : memref<640x128xf32, #tpu.memory_space<vmem_shared>>) target_semaphore(%run_scoped3A : memref<!tpu.dma_semaphore, #tpu.memory_space<semaphore_mem>>)
      %dma_wait3A_25 = arith.constant 0 : i32
      %dma_wait3A_26 = tpu.memref_slice %arg13[%mul3A_4, %dma_wait3A_25] : memref<10240x128xf32, #tpu.memory_space<vmem_shared>> -> memref<640x128xf32, #tpu.memory_space<vmem_shared>>
      %dma_wait3A_27 = arith.constant 0 : i32
      %dma_wait3A_28 = tpu.memref_slice %arg5[%mul3A_4, %dma_wait3A_27] : memref<10240x128xf32, #tpu.memory_space<hbm>> -> memref<640x128xf32, #tpu.memory_space<hbm>>
      tpu.wait_dma2 semaphore(%run_scoped3A : memref<!tpu.dma_semaphore, #tpu.memory_space<semaphore_mem>>) src(%dma_wait3A_28 : memref<640x128xf32, #tpu.memory_space<hbm>>) dst(%dma_wait3A_26 : memref<640x128xf32, #tpu.memory_space<vmem_shared>>)
      tpu.yield
    }) : () -> ()
    %add3A_5 = arith.constant 0 : i32
    %add3A_6 = arith.addi %mul3A_2, %add3A_5 : i32
    "tpu.region"() ({
      %run_scoped3A = tpu.sem_alloc : memref<!tpu.dma_semaphore, #tpu.memory_space<semaphore_mem>>
      %dma_start3A_21 = tpu.memref_slice %arg3[%add3A_6] : memref<320000xi32, #tpu.memory_space<hbm>> -> memref<80xi32, #tpu.memory_space<hbm>>
      %dma_start3A_22 = tpu.memref_slice %arg3[%add3A_6] : memref<320000xi32, #tpu.memory_space<hbm>> -> memref<80xi32, #tpu.memory_space<hbm>>
      tpu.enqueue_dma source(%dma_start3A_22 : memref<80xi32, #tpu.memory_space<hbm>>) target(%arg7 : memref<80xi32, #tpu.memory_space<vmem>>) target_semaphore(%run_scoped3A : memref<!tpu.dma_semaphore, #tpu.memory_space<semaphore_mem>>)
      %dma_wait3A_23 = tpu.memref_slice %arg3[%add3A_6] : memref<320000xi32, #tpu.memory_space<hbm>> -> memref<80xi32, #tpu.memory_space<hbm>>
      %dma_wait3A_24 = tpu.memref_slice %arg3[%add3A_6] : memref<320000xi32, #tpu.memory_space<hbm>> -> memref<80xi32, #tpu.memory_space<hbm>>
      tpu.wait_dma2 semaphore(%run_scoped3A : memref<!tpu.dma_semaphore, #tpu.memory_space<semaphore_mem>>) src(%dma_wait3A_24 : memref<80xi32, #tpu.memory_space<hbm>>) dst(%arg7 : memref<80xi32, #tpu.memory_space<vmem>>)
      tpu.yield
    }) : () -> ()
    %add3A_7 = arith.constant 0 : i32
    %add3A_8 = arith.addi %mul3A_2, %add3A_7 : i32
    "tpu.region"() ({
      %run_scoped3A = tpu.sem_alloc : memref<!tpu.dma_semaphore, #tpu.memory_space<semaphore_mem>>
      %dma_start3A_21 = tpu.memref_slice %arg4[%add3A_8] : memref<320000xi32, #tpu.memory_space<hbm>> -> memref<80xi32, #tpu.memory_space<hbm>>
      %dma_start3A_22 = tpu.memref_slice %arg4[%add3A_8] : memref<320000xi32, #tpu.memory_space<hbm>> -> memref<80xi32, #tpu.memory_space<hbm>>
      tpu.enqueue_dma source(%dma_start3A_22 : memref<80xi32, #tpu.memory_space<hbm>>) target(%arg8 : memref<80xi32, #tpu.memory_space<vmem>>) target_semaphore(%run_scoped3A : memref<!tpu.dma_semaphore, #tpu.memory_space<semaphore_mem>>)
      %dma_wait3A_23 = tpu.memref_slice %arg4[%add3A_8] : memref<320000xi32, #tpu.memory_space<hbm>> -> memref<80xi32, #tpu.memory_space<hbm>>
      %dma_wait3A_24 = tpu.memref_slice %arg4[%add3A_8] : memref<320000xi32, #tpu.memory_space<hbm>> -> memref<80xi32, #tpu.memory_space<hbm>>
      tpu.wait_dma2 semaphore(%run_scoped3A : memref<!tpu.dma_semaphore, #tpu.memory_space<semaphore_mem>>) src(%dma_wait3A_24 : memref<80xi32, #tpu.memory_space<hbm>>) dst(%arg8 : memref<80xi32, #tpu.memory_space<vmem>>)
      tpu.yield
    }) : () -> ()
    %dma_start3A = arith.constant 0 : i32
    %dma_start3A_9 = arith.constant 0 : i32
    %dma_start3A_10 = tpu.memref_slice %arg2[%dma_start3A, %dma_start3A_9] : memref<10000x128xf32, #tpu.memory_space<hbm>> -> memref<10000x128xf32, #tpu.memory_space<hbm>>
    tpu.enqueue_indirect_dma source(%dma_start3A_10 : memref<10000x128xf32, #tpu.memory_space<hbm>>) target(%arg11 : memref<80x128xf32, #tpu.memory_space<vmem>>) offsets(%arg7 : memref<80xi32, #tpu.memory_space<vmem>>) semaphore(%arg14 : memref<!tpu.dma_semaphore, #tpu.memory_space<semaphore_mem>>)
    %barrier3A = arith.constant 0 : index
    tpu.barrier barrier_id(%barrier3A)
    %scan3A = arith.constant 0 : i32
    %scan3A_11 = arith.constant 62 : i32
    %scan3A_12 = arith.addi %scan3A, %scan3A_11 : i32
    %scan3A_13 = arith.constant 1 : i32
    scf.for %scan3A_21 = %scan3A to %scan3A_12 step %scan3A_13  : i32 {
      %mul3A_22 = arith.constant 2 : i32
      %mul3A_23 = arith.muli %scan3A_21, %mul3A_22 : i32
      %add3A_24 = arith.constant 0 : i32
      %add3A_25 = arith.addi %add3A_24, %mul3A_23 : i32
      %add3A_26 = arith.constant 1 : i32
      %add3A_27 = arith.addi %add3A_25, %add3A_26 : i32
      %mul3A_28 = arith.constant 80 : i32
      %mul3A_29 = arith.muli %add3A_27, %mul3A_28 : i32
      %add3A_30 = arith.addi %mul3A_2, %mul3A_29 : i32
      "tpu.region"() ({
        %run_scoped3A = tpu.sem_alloc : memref<!tpu.dma_semaphore, #tpu.memory_space<semaphore_mem>>
        %dma_start3A_60 = tpu.memref_slice %arg3[%add3A_30] : memref<320000xi32, #tpu.memory_space<hbm>> -> memref<80xi32, #tpu.memory_space<hbm>>
        %dma_start3A_61 = tpu.memref_slice %arg3[%add3A_30] : memref<320000xi32, #tpu.memory_space<hbm>> -> memref<80xi32, #tpu.memory_space<hbm>>
        tpu.enqueue_dma source(%dma_start3A_61 : memref<80xi32, #tpu.memory_space<hbm>>) target(%arg9 : memref<80xi32, #tpu.memory_space<vmem>>) target_semaphore(%run_scoped3A : memref<!tpu.dma_semaphore, #tpu.memory_space<semaphore_mem>>)
        %dma_wait3A_62 = tpu.memref_slice %arg3[%add3A_30] : memref<320000xi32, #tpu.memory_space<hbm>> -> memref<80xi32, #tpu.memory_space<hbm>>
        %dma_wait3A_63 = tpu.memref_slice %arg3[%add3A_30] : memref<320000xi32, #tpu.memory_space<hbm>> -> memref<80xi32, #tpu.memory_space<hbm>>
        tpu.wait_dma2 semaphore(%run_scoped3A : memref<!tpu.dma_semaphore, #tpu.memory_space<semaphore_mem>>) src(%dma_wait3A_63 : memref<80xi32, #tpu.memory_space<hbm>>) dst(%arg9 : memref<80xi32, #tpu.memory_space<vmem>>)
        tpu.yield
      }) : () -> ()
      %mul3A_31 = arith.constant 80 : i32
      %mul3A_32 = arith.muli %add3A_27, %mul3A_31 : i32
      %add3A_33 = arith.addi %mul3A_2, %mul3A_32 : i32
      "tpu.region"() ({
        %run_scoped3A = tpu.sem_alloc : memref<!tpu.dma_semaphore, #tpu.memory_space<semaphore_mem>>
        %dma_start3A_60 = tpu.memref_slice %arg4[%add3A_33] : memref<320000xi32, #tpu.memory_space<hbm>> -> memref<80xi32, #tpu.memory_space<hbm>>
        %dma_start3A_61 = tpu.memref_slice %arg4[%add3A_33] : memref<320000xi32, #tpu.memory_space<hbm>> -> memref<80xi32, #tpu.memory_space<hbm>>
        tpu.enqueue_dma source(%dma_start3A_61 : memref<80xi32, #tpu.memory_space<hbm>>) target(%arg10 : memref<80xi32, #tpu.memory_space<vmem>>) target_semaphore(%run_scoped3A : memref<!tpu.dma_semaphore, #tpu.memory_space<semaphore_mem>>)
        %dma_wait3A_62 = tpu.memref_slice %arg4[%add3A_33] : memref<320000xi32, #tpu.memory_space<hbm>> -> memref<80xi32, #tpu.memory_space<hbm>>
        %dma_wait3A_63 = tpu.memref_slice %arg4[%add3A_33] : memref<320000xi32, #tpu.memory_space<hbm>> -> memref<80xi32, #tpu.memory_space<hbm>>
        tpu.wait_dma2 semaphore(%run_scoped3A : memref<!tpu.dma_semaphore, #tpu.memory_space<semaphore_mem>>) src(%dma_wait3A_63 : memref<80xi32, #tpu.memory_space<hbm>>) dst(%arg10 : memref<80xi32, #tpu.memory_space<vmem>>)
        tpu.yield
      }) : () -> ()
      %dma_start3A_34 = arith.constant 0 : i32
      %dma_start3A_35 = arith.constant 0 : i32
      %dma_start3A_36 = tpu.memref_slice %arg2[%dma_start3A_34, %dma_start3A_35] : memref<10000x128xf32, #tpu.memory_space<hbm>> -> memref<10000x128xf32, #tpu.memory_space<hbm>>
      tpu.enqueue_indirect_dma source(%dma_start3A_36 : memref<10000x128xf32, #tpu.memory_space<hbm>>) target(%arg12 : memref<80x128xf32, #tpu.memory_space<vmem>>) offsets(%arg9 : memref<80xi32, #tpu.memory_space<vmem>>) semaphore(%arg15 : memref<!tpu.dma_semaphore, #tpu.memory_space<semaphore_mem>>)
      %dma_wait3A_37 = arith.constant 0 : i32
      %dma_wait3A_38 = arith.constant 0 : i32
      %dma_wait3A_39 = tpu.memref_slice %arg2[%dma_wait3A_37, %dma_wait3A_38] : memref<10000x128xf32, #tpu.memory_space<hbm>> -> memref<80x128xf32, #tpu.memory_space<hbm>>
      %dma_wait3A_40 = arith.constant 0 : i32
      %dma_wait3A_41 = arith.constant 0 : i32
      %dma_wait3A_42 = tpu.memref_slice %arg2[%dma_wait3A_40, %dma_wait3A_41] : memref<10000x128xf32, #tpu.memory_space<hbm>> -> memref<80x128xf32, #tpu.memory_space<hbm>>
      tpu.wait_dma2 semaphore(%arg14 : memref<!tpu.dma_semaphore, #tpu.memory_space<semaphore_mem>>) src(%dma_wait3A_42 : memref<80x128xf32, #tpu.memory_space<hbm>>) dst(%arg11 : memref<80x128xf32, #tpu.memory_space<vmem>>)
      "tpu.region"() ({
        %run_scoped3A = tpu.sem_alloc : memref<!tpu.dma_semaphore, #tpu.memory_space<semaphore_mem>>
        %dma_start3A_60 = arith.constant 0 : i32
        %dma_start3A_61 = arith.constant 0 : i32
        %dma_start3A_62 = tpu.memref_slice %arg13[%dma_start3A_60, %dma_start3A_61] : memref<10240x128xf32, #tpu.memory_space<vmem_shared>> -> memref<10240x128xf32, #tpu.memory_space<vmem_shared>>
        tpu.enqueue_indirect_dma source(%arg11 : memref<80x128xf32, #tpu.memory_space<vmem>>) target(%dma_start3A_62 : memref<10240x128xf32, #tpu.memory_space<vmem_shared>>) offsets(%arg8 : memref<80xi32, #tpu.memory_space<vmem>>) semaphore(%run_scoped3A : memref<!tpu.dma_semaphore, #tpu.memory_space<semaphore_mem>>) {add = true}
        %dma_wait3A_63 = arith.constant 0 : i32
        %dma_wait3A_64 = arith.constant 0 : i32
        %dma_wait3A_65 = tpu.memref_slice %arg13[%dma_wait3A_63, %dma_wait3A_64] : memref<10240x128xf32, #tpu.memory_space<vmem_shared>> -> memref<10240x128xf32, #tpu.memory_space<vmem_shared>>
        tpu.wait_indirect_dma semaphore(%run_scoped3A : memref<!tpu.dma_semaphore, #tpu.memory_space<semaphore_mem>>) src(%arg11 : memref<80x128xf32, #tpu.memory_space<vmem>>) dst(%dma_wait3A_65 : memref<10240x128xf32, #tpu.memory_space<vmem_shared>>)
        tpu.yield
      }) : () -> ()
      %add3A_43 = arith.constant 2 : i32
      %add3A_44 = arith.addi %add3A_25, %add3A_43 : i32
      %mul3A_45 = arith.constant 80 : i32
      %mul3A_46 = arith.muli %add3A_44, %mul3A_45 : i32
      %add3A_47 = arith.addi %mul3A_2, %mul3A_46 : i32
      "tpu.region"() ({
        %run_scoped3A = tpu.sem_alloc : memref<!tpu.dma_semaphore, #tpu.memory_space<semaphore_mem>>
        %dma_start3A_60 = tpu.memref_slice %arg3[%add3A_47] : memref<320000xi32, #tpu.memory_space<hbm>> -> memref<80xi32, #tpu.memory_space<hbm>>
        %dma_start3A_61 = tpu.memref_slice %arg3[%add3A_47] : memref<320000xi32, #tpu.memory_space<hbm>> -> memref<80xi32, #tpu.memory_space<hbm>>
        tpu.enqueue_dma source(%dma_start3A_61 : memref<80xi32, #tpu.memory_space<hbm>>) target(%arg7 : memref<80xi32, #tpu.memory_space<vmem>>) target_semaphore(%run_scoped3A : memref<!tpu.dma_semaphore, #tpu.memory_space<semaphore_mem>>)
        %dma_wait3A_62 = tpu.memref_slice %arg3[%add3A_47] : memref<320000xi32, #tpu.memory_space<hbm>> -> memref<80xi32, #tpu.memory_space<hbm>>
        %dma_wait3A_63 = tpu.memref_slice %arg3[%add3A_47] : memref<320000xi32, #tpu.memory_space<hbm>> -> memref<80xi32, #tpu.memory_space<hbm>>
        tpu.wait_dma2 semaphore(%run_scoped3A : memref<!tpu.dma_semaphore, #tpu.memory_space<semaphore_mem>>) src(%dma_wait3A_63 : memref<80xi32, #tpu.memory_space<hbm>>) dst(%arg7 : memref<80xi32, #tpu.memory_space<vmem>>)
        tpu.yield
      }) : () -> ()
      %mul3A_48 = arith.constant 80 : i32
      %mul3A_49 = arith.muli %add3A_44, %mul3A_48 : i32
      %add3A_50 = arith.addi %mul3A_2, %mul3A_49 : i32
      "tpu.region"() ({
        %run_scoped3A = tpu.sem_alloc : memref<!tpu.dma_semaphore, #tpu.memory_space<semaphore_mem>>
        %dma_start3A_60 = tpu.memref_slice %arg4[%add3A_50] : memref<320000xi32, #tpu.memory_space<hbm>> -> memref<80xi32, #tpu.memory_space<hbm>>
        %dma_start3A_61 = tpu.memref_slice %arg4[%add3A_50] : memref<320000xi32, #tpu.memory_space<hbm>> -> memref<80xi32, #tpu.memory_space<hbm>>
        tpu.enqueue_dma source(%dma_start3A_61 : memref<80xi32, #tpu.memory_space<hbm>>) target(%arg8 : memref<80xi32, #tpu.memory_space<vmem>>) target_semaphore(%run_scoped3A : memref<!tpu.dma_semaphore, #tpu.memory_space<semaphore_mem>>)
        %dma_wait3A_62 = tpu.memref_slice %arg4[%add3A_50] : memref<320000xi32, #tpu.memory_space<hbm>> -> memref<80xi32, #tpu.memory_space<hbm>>
        %dma_wait3A_63 = tpu.memref_slice %arg4[%add3A_50] : memref<320000xi32, #tpu.memory_space<hbm>> -> memref<80xi32, #tpu.memory_space<hbm>>
        tpu.wait_dma2 semaphore(%run_scoped3A : memref<!tpu.dma_semaphore, #tpu.memory_space<semaphore_mem>>) src(%dma_wait3A_63 : memref<80xi32, #tpu.memory_space<hbm>>) dst(%arg8 : memref<80xi32, #tpu.memory_space<vmem>>)
        tpu.yield
      }) : () -> ()
      %dma_start3A_51 = arith.constant 0 : i32
      %dma_start3A_52 = arith.constant 0 : i32
      %dma_start3A_53 = tpu.memref_slice %arg2[%dma_start3A_51, %dma_start3A_52] : memref<10000x128xf32, #tpu.memory_space<hbm>> -> memref<10000x128xf32, #tpu.memory_space<hbm>>
      tpu.enqueue_indirect_dma source(%dma_start3A_53 : memref<10000x128xf32, #tpu.memory_space<hbm>>) target(%arg11 : memref<80x128xf32, #tpu.memory_space<vmem>>) offsets(%arg7 : memref<80xi32, #tpu.memory_space<vmem>>) semaphore(%arg14 : memref<!tpu.dma_semaphore, #tpu.memory_space<semaphore_mem>>)
      %dma_wait3A_54 = arith.constant 0 : i32
      %dma_wait3A_55 = arith.constant 0 : i32
      %dma_wait3A_56 = tpu.memref_slice %arg2[%dma_wait3A_54, %dma_wait3A_55] : memref<10000x128xf32, #tpu.memory_space<hbm>> -> memref<80x128xf32, #tpu.memory_space<hbm>>
      %dma_wait3A_57 = arith.constant 0 : i32
      %dma_wait3A_58 = arith.constant 0 : i32
      %dma_wait3A_59 = tpu.memref_slice %arg2[%dma_wait3A_57, %dma_wait3A_58] : memref<10000x128xf32, #tpu.memory_space<hbm>> -> memref<80x128xf32, #tpu.memory_space<hbm>>
      tpu.wait_dma2 semaphore(%arg15 : memref<!tpu.dma_semaphore, #tpu.memory_space<semaphore_mem>>) src(%dma_wait3A_59 : memref<80x128xf32, #tpu.memory_space<hbm>>) dst(%arg12 : memref<80x128xf32, #tpu.memory_space<vmem>>)
      "tpu.region"() ({
        %run_scoped3A = tpu.sem_alloc : memref<!tpu.dma_semaphore, #tpu.memory_space<semaphore_mem>>
        %dma_start3A_60 = arith.constant 0 : i32
        %dma_start3A_61 = arith.constant 0 : i32
        %dma_start3A_62 = tpu.memref_slice %arg13[%dma_start3A_60, %dma_start3A_61] : memref<10240x128xf32, #tpu.memory_space<vmem_shared>> -> memref<10240x128xf32, #tpu.memory_space<vmem_shared>>
        tpu.enqueue_indirect_dma source(%arg12 : memref<80x128xf32, #tpu.memory_space<vmem>>) target(%dma_start3A_62 : memref<10240x128xf32, #tpu.memory_space<vmem_shared>>) offsets(%arg10 : memref<80xi32, #tpu.memory_space<vmem>>) semaphore(%run_scoped3A : memref<!tpu.dma_semaphore, #tpu.memory_space<semaphore_mem>>) {add = true}
        %dma_wait3A_63 = arith.constant 0 : i32
        %dma_wait3A_64 = arith.constant 0 : i32
        %dma_wait3A_65 = tpu.memref_slice %arg13[%dma_wait3A_63, %dma_wait3A_64] : memref<10240x128xf32, #tpu.memory_space<vmem_shared>> -> memref<10240x128xf32, #tpu.memory_space<vmem_shared>>
        tpu.wait_indirect_dma semaphore(%run_scoped3A : memref<!tpu.dma_semaphore, #tpu.memory_space<semaphore_mem>>) src(%arg12 : memref<80x128xf32, #tpu.memory_space<vmem>>) dst(%dma_wait3A_65 : memref<10240x128xf32, #tpu.memory_space<vmem_shared>>)
        tpu.yield
      }) : () -> ()
    }
    %scan3A_14 = arith.constant 62 : i32
    %dma_wait3A = arith.constant 0 : i32
    %dma_wait3A_15 = arith.constant 0 : i32
    %dma_wait3A_16 = tpu.memref_slice %arg2[%dma_wait3A, %dma_wait3A_15] : memref<10000x128xf32, #tpu.memory_space<hbm>> -> memref<80x128xf32, #tpu.memory_space<hbm>>
    %dma_wait3A_17 = arith.constant 0 : i32
    %dma_wait3A_18 = arith.constant 0 : i32
    %dma_wait3A_19 = tpu.memref_slice %arg2[%dma_wait3A_17, %dma_wait3A_18] : memref<10000x128xf32, #tpu.memory_space<hbm>> -> memref<80x128xf32, #tpu.memory_space<hbm>>
    tpu.wait_dma2 semaphore(%arg14 : memref<!tpu.dma_semaphore, #tpu.memory_space<semaphore_mem>>) src(%dma_wait3A_19 : memref<80x128xf32, #tpu.memory_space<hbm>>) dst(%arg11 : memref<80x128xf32, #tpu.memory_space<vmem>>)
    "tpu.region"() ({
      %run_scoped3A = tpu.sem_alloc : memref<!tpu.dma_semaphore, #tpu.memory_space<semaphore_mem>>
      %dma_start3A_21 = arith.constant 0 : i32
      %dma_start3A_22 = arith.constant 0 : i32
      %dma_start3A_23 = tpu.memref_slice %arg13[%dma_start3A_21, %dma_start3A_22] : memref<10240x128xf32, #tpu.memory_space<vmem_shared>> -> memref<10240x128xf32, #tpu.memory_space<vmem_shared>>
      tpu.enqueue_indirect_dma source(%arg11 : memref<80x128xf32, #tpu.memory_space<vmem>>) target(%dma_start3A_23 : memref<10240x128xf32, #tpu.memory_space<vmem_shared>>) offsets(%arg8 : memref<80xi32, #tpu.memory_space<vmem>>) semaphore(%run_scoped3A : memref<!tpu.dma_semaphore, #tpu.memory_space<semaphore_mem>>) {add = true}
      %dma_wait3A_24 = arith.constant 0 : i32
      %dma_wait3A_25 = arith.constant 0 : i32
      %dma_wait3A_26 = tpu.memref_slice %arg13[%dma_wait3A_24, %dma_wait3A_25] : memref<10240x128xf32, #tpu.memory_space<vmem_shared>> -> memref<10240x128xf32, #tpu.memory_space<vmem_shared>>
      tpu.wait_indirect_dma semaphore(%run_scoped3A : memref<!tpu.dma_semaphore, #tpu.memory_space<semaphore_mem>>) src(%arg11 : memref<80x128xf32, #tpu.memory_space<vmem>>) dst(%dma_wait3A_26 : memref<10240x128xf32, #tpu.memory_space<vmem_shared>>)
      tpu.yield
    }) : () -> ()
    %barrier3A_20 = arith.constant 0 : index
    tpu.barrier barrier_id(%barrier3A_20)
    "tpu.region"() ({
      %run_scoped3A = tpu.sem_alloc : memref<!tpu.dma_semaphore, #tpu.memory_space<semaphore_mem>>
      %dma_start3A_21 = arith.constant 0 : i32
      %dma_start3A_22 = tpu.memref_slice %arg6[%arg0, %mul3A_4, %dma_start3A_21] : memref<2x10240x128xf32, #tpu.memory_space<hbm>> -> memref<1x640x128xf32, #tpu.memory_space<hbm>>
      %dma_start3A_23 = tpu.memref_squeeze %dma_start3A_22 : memref<1x640x128xf32, #tpu.memory_space<hbm>> -> memref<640x128xf32, #tpu.memory_space<hbm>>
      %dma_start3A_24 = arith.constant 0 : i32
      %dma_start3A_25 = tpu.memref_slice %arg13[%mul3A_4, %dma_start3A_24] : memref<10240x128xf32, #tpu.memory_space<vmem_shared>> -> memref<640x128xf32, #tpu.memory_space<vmem_shared>>
      tpu.enqueue_dma source(%dma_start3A_25 : memref<640x128xf32, #tpu.memory_space<vmem_shared>>) target(%dma_start3A_23 : memref<640x128xf32, #tpu.memory_space<hbm>>) target_semaphore(%run_scoped3A : memref<!tpu.dma_semaphore, #tpu.memory_space<semaphore_mem>>)
      %dma_wait3A_26 = arith.constant 0 : i32
      %dma_wait3A_27 = tpu.memref_slice %arg6[%arg0, %mul3A_4, %dma_wait3A_26] : memref<2x10240x128xf32, #tpu.memory_space<hbm>> -> memref<1x640x128xf32, #tpu.memory_space<hbm>>
      %dma_wait3A_28 = tpu.memref_squeeze %dma_wait3A_27 : memref<1x640x128xf32, #tpu.memory_space<hbm>> -> memref<640x128xf32, #tpu.memory_space<hbm>>
      %dma_wait3A_29 = arith.constant 0 : i32
      %dma_wait3A_30 = tpu.memref_slice %arg13[%mul3A_4, %dma_wait3A_29] : memref<10240x128xf32, #tpu.memory_space<vmem_shared>> -> memref<640x128xf32, #tpu.memory_space<vmem_shared>>
      tpu.wait_dma2 semaphore(%run_scoped3A : memref<!tpu.dma_semaphore, #tpu.memory_space<semaphore_mem>>) src(%dma_wait3A_30 : memref<640x128xf32, #tpu.memory_space<vmem_shared>>) dst(%dma_wait3A_28 : memref<640x128xf32, #tpu.memory_space<hbm>>)
      tpu.yield
    }) : () -> ()
    return
  }
}

#map = affine_map<(d0, d1) -> (0, 0)>
#map1 = affine_map<(d0, d1) -> (0)>
#map2 = affine_map<(d0, d1) -> (0, 0, 0)>
module attributes {stable_mosaic.version = 14 : i64} {
  func.func @_agg_body(%arg0: i32, %arg1: i32, %arg2: memref<10000x128xf32, #tpu.memory_space<hbm>>, %arg3: memref<320000xi32, #tpu.memory_space<hbm>>, %arg4: memref<320000xi32, #tpu.memory_space<hbm>>, %arg5: memref<10240x128xf32, #tpu.memory_space<hbm>>, %arg6: memref<2x10240x128xf32, #tpu.memory_space<hbm>>, %arg7: memref<80xi32, #tpu.memory_space<vmem>>, %arg8: memref<80xi32, #tpu.memory_space<vmem>>, %arg9: memref<80xi32, #tpu.memory_space<vmem>>, %arg10: memref<80xi32, #tpu.memory_space<vmem>>, %arg11: memref<80x128xf32, #tpu.memory_space<vmem>>, %arg12: memref<80x128xf32, #tpu.memory_space<vmem>>, %arg13: memref<10240x128xf32, #tpu.memory_space<vmem_shared>>, %arg14: memref<!tpu.dma_semaphore, #tpu.memory_space<semaphore_mem>>, %arg15: memref<!tpu.dma_semaphore, #tpu.memory_space<semaphore_mem>>) attributes {dimension_semantics = [#tpu.dimension_semantics<core_parallel>, #tpu.dimension_semantics<subcore_parallel>], iteration_bounds = array<i64: 2, 16>, scalar_prefetch = 0 : i64, scratch_operands = 9 : i64, tpu.core_type = #tpu.core_type<sc_vector_subcore>, window_params = [{transform_indices = #map}, {transform_indices = #map1}, {transform_indices = #map1}, {transform_indices = #map}, {transform_indices = #map2}]} {
    %mul3A = arith.constant 16 : i32
    %mul3A_0 = arith.muli %arg0, %mul3A : i32
    %add3A = arith.addi %mul3A_0, %arg1 : i32
    %mul3A_1 = arith.constant 10000 : i32
    %mul3A_2 = arith.muli %add3A, %mul3A_1 : i32
    %mul3A_3 = arith.constant 640 : i32
    %mul3A_4 = arith.muli %arg1, %mul3A_3 : i32
    "tpu.region"() ({
      %run_scoped3A = tpu.sem_alloc : memref<!tpu.dma_semaphore, #tpu.memory_space<semaphore_mem>>
      %dma_start3A_21 = arith.constant 0 : i32
      %dma_start3A_22 = tpu.memref_slice %arg13[%mul3A_4, %dma_start3A_21] : memref<10240x128xf32, #tpu.memory_space<vmem_shared>> -> memref<640x128xf32, #tpu.memory_space<vmem_shared>>
      %dma_start3A_23 = arith.constant 0 : i32
      %dma_start3A_24 = tpu.memref_slice %arg5[%mul3A_4, %dma_start3A_23] : memref<10240x128xf32, #tpu.memory_space<hbm>> -> memref<640x128xf32, #tpu.memory_space<hbm>>
      tpu.enqueue_dma source(%dma_start3A_24 : memref<640x128xf32, #tpu.memory_space<hbm>>) target(%dma_start3A_22 : memref<640x128xf32, #tpu.memory_space<vmem_shared>>) target_semaphore(%run_scoped3A : memref<!tpu.dma_semaphore, #tpu.memory_space<semaphore_mem>>)
      %dma_wait3A_25 = arith.constant 0 : i32
      %dma_wait3A_26 = tpu.memref_slice %arg13[%mul3A_4, %dma_wait3A_25] : memref<10240x128xf32, #tpu.memory_space<vmem_shared>> -> memref<640x128xf32, #tpu.memory_space<vmem_shared>>
      %dma_wait3A_27 = arith.constant 0 : i32
      %dma_wait3A_28 = tpu.memref_slice %arg5[%mul3A_4, %dma_wait3A_27] : memref<10240x128xf32, #tpu.memory_space<hbm>> -> memref<640x128xf32, #tpu.memory_space<hbm>>
      tpu.wait_dma2 semaphore(%run_scoped3A : memref<!tpu.dma_semaphore, #tpu.memory_space<semaphore_mem>>) src(%dma_wait3A_28 : memref<640x128xf32, #tpu.memory_space<hbm>>) dst(%dma_wait3A_26 : memref<640x128xf32, #tpu.memory_space<vmem_shared>>)
      tpu.yield
    }) : () -> ()
    %add3A_5 = arith.constant 0 : i32
    %add3A_6 = arith.addi %mul3A_2, %add3A_5 : i32
    "tpu.region"() ({
      %run_scoped3A = tpu.sem_alloc : memref<!tpu.dma_semaphore, #tpu.memory_space<semaphore_mem>>
      %dma_start3A_21 = tpu.memref_slice %arg3[%add3A_6] : memref<320000xi32, #tpu.memory_space<hbm>> -> memref<80xi32, #tpu.memory_space<hbm>>
      %dma_start3A_22 = tpu.memref_slice %arg3[%add3A_6] : memref<320000xi32, #tpu.memory_space<hbm>> -> memref<80xi32, #tpu.memory_space<hbm>>
      tpu.enqueue_dma source(%dma_start3A_22 : memref<80xi32, #tpu.memory_space<hbm>>) target(%arg7 : memref<80xi32, #tpu.memory_space<vmem>>) target_semaphore(%run_scoped3A : memref<!tpu.dma_semaphore, #tpu.memory_space<semaphore_mem>>)
      %dma_wait3A_23 = tpu.memref_slice %arg3[%add3A_6] : memref<320000xi32, #tpu.memory_space<hbm>> -> memref<80xi32, #tpu.memory_space<hbm>>
      %dma_wait3A_24 = tpu.memref_slice %arg3[%add3A_6] : memref<320000xi32, #tpu.memory_space<hbm>> -> memref<80xi32, #tpu.memory_space<hbm>>
      tpu.wait_dma2 semaphore(%run_scoped3A : memref<!tpu.dma_semaphore, #tpu.memory_space<semaphore_mem>>) src(%dma_wait3A_24 : memref<80xi32, #tpu.memory_space<hbm>>) dst(%arg7 : memref<80xi32, #tpu.memory_space<vmem>>)
      tpu.yield
    }) : () -> ()
    %add3A_7 = arith.constant 0 : i32
    %add3A_8 = arith.addi %mul3A_2, %add3A_7 : i32
    "tpu.region"() ({
      %run_scoped3A = tpu.sem_alloc : memref<!tpu.dma_semaphore, #tpu.memory_space<semaphore_mem>>
      %dma_start3A_21 = tpu.memref_slice %arg4[%add3A_8] : memref<320000xi32, #tpu.memory_space<hbm>> -> memref<80xi32, #tpu.memory_space<hbm>>
      %dma_start3A_22 = tpu.memref_slice %arg4[%add3A_8] : memref<320000xi32, #tpu.memory_space<hbm>> -> memref<80xi32, #tpu.memory_space<hbm>>
      tpu.enqueue_dma source(%dma_start3A_22 : memref<80xi32, #tpu.memory_space<hbm>>) target(%arg8 : memref<80xi32, #tpu.memory_space<vmem>>) target_semaphore(%run_scoped3A : memref<!tpu.dma_semaphore, #tpu.memory_space<semaphore_mem>>)
      %dma_wait3A_23 = tpu.memref_slice %arg4[%add3A_8] : memref<320000xi32, #tpu.memory_space<hbm>> -> memref<80xi32, #tpu.memory_space<hbm>>
      %dma_wait3A_24 = tpu.memref_slice %arg4[%add3A_8] : memref<320000xi32, #tpu.memory_space<hbm>> -> memref<80xi32, #tpu.memory_space<hbm>>
      tpu.wait_dma2 semaphore(%run_scoped3A : memref<!tpu.dma_semaphore, #tpu.memory_space<semaphore_mem>>) src(%dma_wait3A_24 : memref<80xi32, #tpu.memory_space<hbm>>) dst(%arg8 : memref<80xi32, #tpu.memory_space<vmem>>)
      tpu.yield
    }) : () -> ()
    %dma_start3A = arith.constant 0 : i32
    %dma_start3A_9 = arith.constant 0 : i32
    %dma_start3A_10 = tpu.memref_slice %arg2[%dma_start3A, %dma_start3A_9] : memref<10000x128xf32, #tpu.memory_space<hbm>> -> memref<10000x128xf32, #tpu.memory_space<hbm>>
    tpu.enqueue_indirect_dma source(%dma_start3A_10 : memref<10000x128xf32, #tpu.memory_space<hbm>>) target(%arg11 : memref<80x128xf32, #tpu.memory_space<vmem>>) offsets(%arg7 : memref<80xi32, #tpu.memory_space<vmem>>) semaphore(%arg14 : memref<!tpu.dma_semaphore, #tpu.memory_space<semaphore_mem>>)
    %barrier3A = arith.constant 0 : index
    tpu.barrier barrier_id(%barrier3A)
    %scan3A = arith.constant 0 : i32
    %scan3A_11 = arith.constant 62 : i32
    %scan3A_12 = arith.addi %scan3A, %scan3A_11 : i32
    %scan3A_13 = arith.constant 1 : i32
    scf.for %scan3A_21 = %scan3A to %scan3A_12 step %scan3A_13  : i32 {
      %mul3A_22 = arith.constant 2 : i32
      %mul3A_23 = arith.muli %scan3A_21, %mul3A_22 : i32
      %add3A_24 = arith.constant 0 : i32
      %add3A_25 = arith.addi %add3A_24, %mul3A_23 : i32
      %add3A_26 = arith.constant 1 : i32
      %add3A_27 = arith.addi %add3A_25, %add3A_26 : i32
      %mul3A_28 = arith.constant 80 : i32
      %mul3A_29 = arith.muli %add3A_27, %mul3A_28 : i32
      %add3A_30 = arith.addi %mul3A_2, %mul3A_29 : i32
      "tpu.region"() ({
        %run_scoped3A = tpu.sem_alloc : memref<!tpu.dma_semaphore, #tpu.memory_space<semaphore_mem>>
        %dma_start3A_60 = tpu.memref_slice %arg3[%add3A_30] : memref<320000xi32, #tpu.memory_space<hbm>> -> memref<80xi32, #tpu.memory_space<hbm>>
        %dma_start3A_61 = tpu.memref_slice %arg3[%add3A_30] : memref<320000xi32, #tpu.memory_space<hbm>> -> memref<80xi32, #tpu.memory_space<hbm>>
        tpu.enqueue_dma source(%dma_start3A_61 : memref<80xi32, #tpu.memory_space<hbm>>) target(%arg9 : memref<80xi32, #tpu.memory_space<vmem>>) target_semaphore(%run_scoped3A : memref<!tpu.dma_semaphore, #tpu.memory_space<semaphore_mem>>)
        %dma_wait3A_62 = tpu.memref_slice %arg3[%add3A_30] : memref<320000xi32, #tpu.memory_space<hbm>> -> memref<80xi32, #tpu.memory_space<hbm>>
        %dma_wait3A_63 = tpu.memref_slice %arg3[%add3A_30] : memref<320000xi32, #tpu.memory_space<hbm>> -> memref<80xi32, #tpu.memory_space<hbm>>
        tpu.wait_dma2 semaphore(%run_scoped3A : memref<!tpu.dma_semaphore, #tpu.memory_space<semaphore_mem>>) src(%dma_wait3A_63 : memref<80xi32, #tpu.memory_space<hbm>>) dst(%arg9 : memref<80xi32, #tpu.memory_space<vmem>>)
        tpu.yield
      }) : () -> ()
      %mul3A_31 = arith.constant 80 : i32
      %mul3A_32 = arith.muli %add3A_27, %mul3A_31 : i32
      %add3A_33 = arith.addi %mul3A_2, %mul3A_32 : i32
      "tpu.region"() ({
        %run_scoped3A = tpu.sem_alloc : memref<!tpu.dma_semaphore, #tpu.memory_space<semaphore_mem>>
        %dma_start3A_60 = tpu.memref_slice %arg4[%add3A_33] : memref<320000xi32, #tpu.memory_space<hbm>> -> memref<80xi32, #tpu.memory_space<hbm>>
        %dma_start3A_61 = tpu.memref_slice %arg4[%add3A_33] : memref<320000xi32, #tpu.memory_space<hbm>> -> memref<80xi32, #tpu.memory_space<hbm>>
        tpu.enqueue_dma source(%dma_start3A_61 : memref<80xi32, #tpu.memory_space<hbm>>) target(%arg10 : memref<80xi32, #tpu.memory_space<vmem>>) target_semaphore(%run_scoped3A : memref<!tpu.dma_semaphore, #tpu.memory_space<semaphore_mem>>)
        %dma_wait3A_62 = tpu.memref_slice %arg4[%add3A_33] : memref<320000xi32, #tpu.memory_space<hbm>> -> memref<80xi32, #tpu.memory_space<hbm>>
        %dma_wait3A_63 = tpu.memref_slice %arg4[%add3A_33] : memref<320000xi32, #tpu.memory_space<hbm>> -> memref<80xi32, #tpu.memory_space<hbm>>
        tpu.wait_dma2 semaphore(%run_scoped3A : memref<!tpu.dma_semaphore, #tpu.memory_space<semaphore_mem>>) src(%dma_wait3A_63 : memref<80xi32, #tpu.memory_space<hbm>>) dst(%arg10 : memref<80xi32, #tpu.memory_space<vmem>>)
        tpu.yield
      }) : () -> ()
      %dma_start3A_34 = arith.constant 0 : i32
      %dma_start3A_35 = arith.constant 0 : i32
      %dma_start3A_36 = tpu.memref_slice %arg2[%dma_start3A_34, %dma_start3A_35] : memref<10000x128xf32, #tpu.memory_space<hbm>> -> memref<10000x128xf32, #tpu.memory_space<hbm>>
      tpu.enqueue_indirect_dma source(%dma_start3A_36 : memref<10000x128xf32, #tpu.memory_space<hbm>>) target(%arg12 : memref<80x128xf32, #tpu.memory_space<vmem>>) offsets(%arg9 : memref<80xi32, #tpu.memory_space<vmem>>) semaphore(%arg15 : memref<!tpu.dma_semaphore, #tpu.memory_space<semaphore_mem>>)
      %dma_wait3A_37 = arith.constant 0 : i32
      %dma_wait3A_38 = arith.constant 0 : i32
      %dma_wait3A_39 = tpu.memref_slice %arg2[%dma_wait3A_37, %dma_wait3A_38] : memref<10000x128xf32, #tpu.memory_space<hbm>> -> memref<80x128xf32, #tpu.memory_space<hbm>>
      %dma_wait3A_40 = arith.constant 0 : i32
      %dma_wait3A_41 = arith.constant 0 : i32
      %dma_wait3A_42 = tpu.memref_slice %arg2[%dma_wait3A_40, %dma_wait3A_41] : memref<10000x128xf32, #tpu.memory_space<hbm>> -> memref<80x128xf32, #tpu.memory_space<hbm>>
      tpu.wait_dma2 semaphore(%arg14 : memref<!tpu.dma_semaphore, #tpu.memory_space<semaphore_mem>>) src(%dma_wait3A_42 : memref<80x128xf32, #tpu.memory_space<hbm>>) dst(%arg11 : memref<80x128xf32, #tpu.memory_space<vmem>>)
      "tpu.region"() ({
        %run_scoped3A = tpu.sem_alloc : memref<!tpu.dma_semaphore, #tpu.memory_space<semaphore_mem>>
        %dma_start3A_60 = arith.constant 0 : i32
        %dma_start3A_61 = arith.constant 0 : i32
        %dma_start3A_62 = tpu.memref_slice %arg13[%dma_start3A_60, %dma_start3A_61] : memref<10240x128xf32, #tpu.memory_space<vmem_shared>> -> memref<10240x128xf32, #tpu.memory_space<vmem_shared>>
        tpu.enqueue_indirect_dma source(%arg11 : memref<80x128xf32, #tpu.memory_space<vmem>>) target(%dma_start3A_62 : memref<10240x128xf32, #tpu.memory_space<vmem_shared>>) offsets(%arg8 : memref<80xi32, #tpu.memory_space<vmem>>) semaphore(%run_scoped3A : memref<!tpu.dma_semaphore, #tpu.memory_space<semaphore_mem>>) {add = true}
        %dma_wait3A_63 = arith.constant 0 : i32
        %dma_wait3A_64 = arith.constant 0 : i32
        %dma_wait3A_65 = tpu.memref_slice %arg13[%dma_wait3A_63, %dma_wait3A_64] : memref<10240x128xf32, #tpu.memory_space<vmem_shared>> -> memref<10240x128xf32, #tpu.memory_space<vmem_shared>>
        tpu.wait_indirect_dma semaphore(%run_scoped3A : memref<!tpu.dma_semaphore, #tpu.memory_space<semaphore_mem>>) src(%arg11 : memref<80x128xf32, #tpu.memory_space<vmem>>) dst(%dma_wait3A_65 : memref<10240x128xf32, #tpu.memory_space<vmem_shared>>)
        tpu.yield
      }) : () -> ()
      %add3A_43 = arith.constant 2 : i32
      %add3A_44 = arith.addi %add3A_25, %add3A_43 : i32
      %mul3A_45 = arith.constant 80 : i32
      %mul3A_46 = arith.muli %add3A_44, %mul3A_45 : i32
      %add3A_47 = arith.addi %mul3A_2, %mul3A_46 : i32
      "tpu.region"() ({
        %run_scoped3A = tpu.sem_alloc : memref<!tpu.dma_semaphore, #tpu.memory_space<semaphore_mem>>
        %dma_start3A_60 = tpu.memref_slice %arg3[%add3A_47] : memref<320000xi32, #tpu.memory_space<hbm>> -> memref<80xi32, #tpu.memory_space<hbm>>
        %dma_start3A_61 = tpu.memref_slice %arg3[%add3A_47] : memref<320000xi32, #tpu.memory_space<hbm>> -> memref<80xi32, #tpu.memory_space<hbm>>
        tpu.enqueue_dma source(%dma_start3A_61 : memref<80xi32, #tpu.memory_space<hbm>>) target(%arg7 : memref<80xi32, #tpu.memory_space<vmem>>) target_semaphore(%run_scoped3A : memref<!tpu.dma_semaphore, #tpu.memory_space<semaphore_mem>>)
        %dma_wait3A_62 = tpu.memref_slice %arg3[%add3A_47] : memref<320000xi32, #tpu.memory_space<hbm>> -> memref<80xi32, #tpu.memory_space<hbm>>
        %dma_wait3A_63 = tpu.memref_slice %arg3[%add3A_47] : memref<320000xi32, #tpu.memory_space<hbm>> -> memref<80xi32, #tpu.memory_space<hbm>>
        tpu.wait_dma2 semaphore(%run_scoped3A : memref<!tpu.dma_semaphore, #tpu.memory_space<semaphore_mem>>) src(%dma_wait3A_63 : memref<80xi32, #tpu.memory_space<hbm>>) dst(%arg7 : memref<80xi32, #tpu.memory_space<vmem>>)
        tpu.yield
      }) : () -> ()
      %mul3A_48 = arith.constant 80 : i32
      %mul3A_49 = arith.muli %add3A_44, %mul3A_48 : i32
      %add3A_50 = arith.addi %mul3A_2, %mul3A_49 : i32
      "tpu.region"() ({
        %run_scoped3A = tpu.sem_alloc : memref<!tpu.dma_semaphore, #tpu.memory_space<semaphore_mem>>
        %dma_start3A_60 = tpu.memref_slice %arg4[%add3A_50] : memref<320000xi32, #tpu.memory_space<hbm>> -> memref<80xi32, #tpu.memory_space<hbm>>
        %dma_start3A_61 = tpu.memref_slice %arg4[%add3A_50] : memref<320000xi32, #tpu.memory_space<hbm>> -> memref<80xi32, #tpu.memory_space<hbm>>
        tpu.enqueue_dma source(%dma_start3A_61 : memref<80xi32, #tpu.memory_space<hbm>>) target(%arg8 : memref<80xi32, #tpu.memory_space<vmem>>) target_semaphore(%run_scoped3A : memref<!tpu.dma_semaphore, #tpu.memory_space<semaphore_mem>>)
        %dma_wait3A_62 = tpu.memref_slice %arg4[%add3A_50] : memref<320000xi32, #tpu.memory_space<hbm>> -> memref<80xi32, #tpu.memory_space<hbm>>
        %dma_wait3A_63 = tpu.memref_slice %arg4[%add3A_50] : memref<320000xi32, #tpu.memory_space<hbm>> -> memref<80xi32, #tpu.memory_space<hbm>>
        tpu.wait_dma2 semaphore(%run_scoped3A : memref<!tpu.dma_semaphore, #tpu.memory_space<semaphore_mem>>) src(%dma_wait3A_63 : memref<80xi32, #tpu.memory_space<hbm>>) dst(%arg8 : memref<80xi32, #tpu.memory_space<vmem>>)
        tpu.yield
      }) : () -> ()
      %dma_start3A_51 = arith.constant 0 : i32
      %dma_start3A_52 = arith.constant 0 : i32
      %dma_start3A_53 = tpu.memref_slice %arg2[%dma_start3A_51, %dma_start3A_52] : memref<10000x128xf32, #tpu.memory_space<hbm>> -> memref<10000x128xf32, #tpu.memory_space<hbm>>
      tpu.enqueue_indirect_dma source(%dma_start3A_53 : memref<10000x128xf32, #tpu.memory_space<hbm>>) target(%arg11 : memref<80x128xf32, #tpu.memory_space<vmem>>) offsets(%arg7 : memref<80xi32, #tpu.memory_space<vmem>>) semaphore(%arg14 : memref<!tpu.dma_semaphore, #tpu.memory_space<semaphore_mem>>)
      %dma_wait3A_54 = arith.constant 0 : i32
      %dma_wait3A_55 = arith.constant 0 : i32
      %dma_wait3A_56 = tpu.memref_slice %arg2[%dma_wait3A_54, %dma_wait3A_55] : memref<10000x128xf32, #tpu.memory_space<hbm>> -> memref<80x128xf32, #tpu.memory_space<hbm>>
      %dma_wait3A_57 = arith.constant 0 : i32
      %dma_wait3A_58 = arith.constant 0 : i32
      %dma_wait3A_59 = tpu.memref_slice %arg2[%dma_wait3A_57, %dma_wait3A_58] : memref<10000x128xf32, #tpu.memory_space<hbm>> -> memref<80x128xf32, #tpu.memory_space<hbm>>
      tpu.wait_dma2 semaphore(%arg15 : memref<!tpu.dma_semaphore, #tpu.memory_space<semaphore_mem>>) src(%dma_wait3A_59 : memref<80x128xf32, #tpu.memory_space<hbm>>) dst(%arg12 : memref<80x128xf32, #tpu.memory_space<vmem>>)
      "tpu.region"() ({
        %run_scoped3A = tpu.sem_alloc : memref<!tpu.dma_semaphore, #tpu.memory_space<semaphore_mem>>
        %dma_start3A_60 = arith.constant 0 : i32
        %dma_start3A_61 = arith.constant 0 : i32
        %dma_start3A_62 = tpu.memref_slice %arg13[%dma_start3A_60, %dma_start3A_61] : memref<10240x128xf32, #tpu.memory_space<vmem_shared>> -> memref<10240x128xf32, #tpu.memory_space<vmem_shared>>
        tpu.enqueue_indirect_dma source(%arg12 : memref<80x128xf32, #tpu.memory_space<vmem>>) target(%dma_start3A_62 : memref<10240x128xf32, #tpu.memory_space<vmem_shared>>) offsets(%arg10 : memref<80xi32, #tpu.memory_space<vmem>>) semaphore(%run_scoped3A : memref<!tpu.dma_semaphore, #tpu.memory_space<semaphore_mem>>) {add = true}
        %dma_wait3A_63 = arith.constant 0 : i32
        %dma_wait3A_64 = arith.constant 0 : i32
        %dma_wait3A_65 = tpu.memref_slice %arg13[%dma_wait3A_63, %dma_wait3A_64] : memref<10240x128xf32, #tpu.memory_space<vmem_shared>> -> memref<10240x128xf32, #tpu.memory_space<vmem_shared>>
        tpu.wait_indirect_dma semaphore(%run_scoped3A : memref<!tpu.dma_semaphore, #tpu.memory_space<semaphore_mem>>) src(%arg12 : memref<80x128xf32, #tpu.memory_space<vmem>>) dst(%dma_wait3A_65 : memref<10240x128xf32, #tpu.memory_space<vmem_shared>>)
        tpu.yield
      }) : () -> ()
    }
    %scan3A_14 = arith.constant 62 : i32
    %dma_wait3A = arith.constant 0 : i32
    %dma_wait3A_15 = arith.constant 0 : i32
    %dma_wait3A_16 = tpu.memref_slice %arg2[%dma_wait3A, %dma_wait3A_15] : memref<10000x128xf32, #tpu.memory_space<hbm>> -> memref<80x128xf32, #tpu.memory_space<hbm>>
    %dma_wait3A_17 = arith.constant 0 : i32
    %dma_wait3A_18 = arith.constant 0 : i32
    %dma_wait3A_19 = tpu.memref_slice %arg2[%dma_wait3A_17, %dma_wait3A_18] : memref<10000x128xf32, #tpu.memory_space<hbm>> -> memref<80x128xf32, #tpu.memory_space<hbm>>
    tpu.wait_dma2 semaphore(%arg14 : memref<!tpu.dma_semaphore, #tpu.memory_space<semaphore_mem>>) src(%dma_wait3A_19 : memref<80x128xf32, #tpu.memory_space<hbm>>) dst(%arg11 : memref<80x128xf32, #tpu.memory_space<vmem>>)
    "tpu.region"() ({
      %run_scoped3A = tpu.sem_alloc : memref<!tpu.dma_semaphore, #tpu.memory_space<semaphore_mem>>
      %dma_start3A_21 = arith.constant 0 : i32
      %dma_start3A_22 = arith.constant 0 : i32
      %dma_start3A_23 = tpu.memref_slice %arg13[%dma_start3A_21, %dma_start3A_22] : memref<10240x128xf32, #tpu.memory_space<vmem_shared>> -> memref<10240x128xf32, #tpu.memory_space<vmem_shared>>
      tpu.enqueue_indirect_dma source(%arg11 : memref<80x128xf32, #tpu.memory_space<vmem>>) target(%dma_start3A_23 : memref<10240x128xf32, #tpu.memory_space<vmem_shared>>) offsets(%arg8 : memref<80xi32, #tpu.memory_space<vmem>>) semaphore(%run_scoped3A : memref<!tpu.dma_semaphore, #tpu.memory_space<semaphore_mem>>) {add = true}
      %dma_wait3A_24 = arith.constant 0 : i32
      %dma_wait3A_25 = arith.constant 0 : i32
      %dma_wait3A_26 = tpu.memref_slice %arg13[%dma_wait3A_24, %dma_wait3A_25] : memref<10240x128xf32, #tpu.memory_space<vmem_shared>> -> memref<10240x128xf32, #tpu.memory_space<vmem_shared>>
      tpu.wait_indirect_dma semaphore(%run_scoped3A : memref<!tpu.dma_semaphore, #tpu.memory_space<semaphore_mem>>) src(%arg11 : memref<80x128xf32, #tpu.memory_space<vmem>>) dst(%dma_wait3A_26 : memref<10240x128xf32, #tpu.memory_space<vmem_shared>>)
      tpu.yield
    }) : () -> ()
    %barrier3A_20 = arith.constant 0 : index
    tpu.barrier barrier_id(%barrier3A_20)
    "tpu.region"() ({
      %run_scoped3A = tpu.sem_alloc : memref<!tpu.dma_semaphore, #tpu.memory_space<semaphore_mem>>
      %dma_start3A_21 = arith.constant 0 : i32
      %dma_start3A_22 = tpu.memref_slice %arg6[%arg0, %mul3A_4, %dma_start3A_21] : memref<2x10240x128xf32, #tpu.memory_space<hbm>> -> memref<1x640x128xf32, #tpu.memory_space<hbm>>
      %dma_start3A_23 = tpu.memref_squeeze %dma_start3A_22 : memref<1x640x128xf32, #tpu.memory_space<hbm>> -> memref<640x128xf32, #tpu.memory_space<hbm>>
      %dma_start3A_24 = arith.constant 0 : i32
      %dma_start3A_25 = tpu.memref_slice %arg13[%mul3A_4, %dma_start3A_24] : memref<10240x128xf32, #tpu.memory_space<vmem_shared>> -> memref<640x128xf32, #tpu.memory_space<vmem_shared>>
      tpu.enqueue_dma source(%dma_start3A_25 : memref<640x128xf32, #tpu.memory_space<vmem_shared>>) target(%dma_start3A_23 : memref<640x128xf32, #tpu.memory_space<hbm>>) target_semaphore(%run_scoped3A : memref<!tpu.dma_semaphore, #tpu.memory_space<semaphore_mem>>)
      %dma_wait3A_26 = arith.constant 0 : i32
      %dma_wait3A_27 = tpu.memref_slice %arg6[%arg0, %mul3A_4, %dma_wait3A_26] : memref<2x10240x128xf32, #tpu.memory_space<hbm>> -> memref<1x640x128xf32, #tpu.memory_space<hbm>>
      %dma_wait3A_28 = tpu.memref_squeeze %dma_wait3A_27 : memref<1x640x128xf32, #tpu.memory_space<hbm>> -> memref<640x128xf32, #tpu.memory_space<hbm>>
      %dma_wait3A_29 = arith.constant 0 : i32
      %dma_wait3A_30 = tpu.memref_slice %arg13[%mul3A_4, %dma_wait3A_29] : memref<10240x128xf32, #tpu.memory_space<vmem_shared>> -> memref<640x128xf32, #tpu.memory_space<vmem_shared>>
      tpu.wait_dma2 semaphore(%run_scoped3A : memref<!tpu.dma_semaphore, #tpu.memory_space<semaphore_mem>>) src(%dma_wait3A_30 : memref<640x128xf32, #tpu.memory_space<vmem_shared>>) dst(%dma_wait3A_28 : memref<640x128xf32, #tpu.memory_space<hbm>>)
      tpu.yield
    }) : () -> ()
    return
  }
}

#map = affine_map<(d0, d1) -> (0)>
#map1 = affine_map<(d0, d1) -> (0, 0)>
#map2 = affine_map<(d0, d1) -> (0, 0, 0)>
module attributes {stable_mosaic.version = 14 : i64} {
  func.func @_degree_body(%arg0: i32, %arg1: i32, %arg2: memref<640000xi32, #tpu.memory_space<hbm>>, %arg3: memref<10240x128xf32, #tpu.memory_space<hbm>>, %arg4: memref<2x10240x128xf32, #tpu.memory_space<hbm>>, %arg5: memref<80xi32, #tpu.memory_space<vmem>>, %arg6: memref<80xi32, #tpu.memory_space<vmem>>, %arg7: memref<80x128xf32, #tpu.memory_space<vmem>>, %arg8: memref<10240x128xf32, #tpu.memory_space<vmem_shared>>, %arg9: memref<!tpu.dma_semaphore, #tpu.memory_space<semaphore_mem>>, %arg10: memref<!tpu.dma_semaphore, #tpu.memory_space<semaphore_mem>>) attributes {dimension_semantics = [#tpu.dimension_semantics<core_parallel>, #tpu.dimension_semantics<subcore_parallel>], iteration_bounds = array<i64: 2, 16>, scalar_prefetch = 0 : i64, scratch_operands = 6 : i64, tpu.core_type = #tpu.core_type<sc_vector_subcore>, window_params = [{transform_indices = #map}, {transform_indices = #map1}, {transform_indices = #map2}]} {
    %mul3A = arith.constant 320000 : i32
    %mul3A_0 = arith.muli %arg0, %mul3A : i32
    %mul3A_1 = arith.constant 20000 : i32
    %mul3A_2 = arith.muli %arg1, %mul3A_1 : i32
    %add3A = arith.addi %mul3A_0, %mul3A_2 : i32
    %mul3A_3 = arith.constant 640 : i32
    %mul3A_4 = arith.muli %arg1, %mul3A_3 : i32
    "tpu.region"() ({
      %run_scoped3A = tpu.sem_alloc : memref<!tpu.dma_semaphore, #tpu.memory_space<semaphore_mem>>
      %dma_start3A_22 = arith.constant 0 : i32
      %dma_start3A_23 = tpu.memref_slice %arg8[%mul3A_4, %dma_start3A_22] : memref<10240x128xf32, #tpu.memory_space<vmem_shared>> -> memref<640x128xf32, #tpu.memory_space<vmem_shared>>
      %dma_start3A_24 = arith.constant 0 : i32
      %dma_start3A_25 = tpu.memref_slice %arg3[%mul3A_4, %dma_start3A_24] : memref<10240x128xf32, #tpu.memory_space<hbm>> -> memref<640x128xf32, #tpu.memory_space<hbm>>
      tpu.enqueue_dma source(%dma_start3A_25 : memref<640x128xf32, #tpu.memory_space<hbm>>) target(%dma_start3A_23 : memref<640x128xf32, #tpu.memory_space<vmem_shared>>) target_semaphore(%run_scoped3A : memref<!tpu.dma_semaphore, #tpu.memory_space<semaphore_mem>>)
      %dma_wait3A_26 = arith.constant 0 : i32
      %dma_wait3A_27 = tpu.memref_slice %arg8[%mul3A_4, %dma_wait3A_26] : memref<10240x128xf32, #tpu.memory_space<vmem_shared>> -> memref<640x128xf32, #tpu.memory_space<vmem_shared>>
      %dma_wait3A_28 = arith.constant 0 : i32
      %dma_wait3A_29 = tpu.memref_slice %arg3[%mul3A_4, %dma_wait3A_28] : memref<10240x128xf32, #tpu.memory_space<hbm>> -> memref<640x128xf32, #tpu.memory_space<hbm>>
      tpu.wait_dma2 semaphore(%run_scoped3A : memref<!tpu.dma_semaphore, #tpu.memory_space<semaphore_mem>>) src(%dma_wait3A_29 : memref<640x128xf32, #tpu.memory_space<hbm>>) dst(%dma_wait3A_27 : memref<640x128xf32, #tpu.memory_space<vmem_shared>>)
      tpu.yield
    }) : () -> ()
    %broadcast_in_dim3A = arith.constant 1.000000e+00 : f32
    %broadcast_in_dim3A_5 = vector.broadcast %broadcast_in_dim3A : f32 to vector<16xf32>
    %scan3A = arith.constant 0 : i32
    %scan3A_6 = arith.constant 80 : i32
    %scan3A_7 = arith.addi %scan3A, %scan3A_6 : i32
    %scan3A_8 = arith.constant 1 : i32
    scf.for %scan3A_22 = %scan3A to %scan3A_7 step %scan3A_8  : i32 {
      %mul3A_23 = arith.constant 1 : i32
      %mul3A_24 = arith.muli %scan3A_22, %mul3A_23 : i32
      %add3A_25 = arith.constant 0 : i32
      %add3A_26 = arith.addi %add3A_25, %mul3A_24 : i32
      %swap3A = arith.index_cast %add3A_26 : i32 to index
      %swap3A_27 = arith.constant 0 : index
      %swap3A_28 = tpu.vector_load %arg7[%swap3A, %swap3A_27] {strides = array<i32>} : memref<80x128xf32, #tpu.memory_space<vmem>>, vector<1x16xf32>,
      %swap3A_29 = vector.shape_cast %swap3A_28 : vector<1x16xf32> to vector<16xf32>
      %swap3A_30 = vector.shape_cast %broadcast_in_dim3A_5 : vector<16xf32> to vector<1x16xf32>
      tpu.vector_store %arg7[%swap3A, %swap3A_27], %swap3A_30 {strides = array<i32>} : memref<80x128xf32, #tpu.memory_space<vmem>>, vector<1x16xf32>,
      %swap3A_31 = arith.index_cast %add3A_26 : i32 to index
      %swap3A_32 = arith.constant 16 : index
      %swap3A_33 = tpu.vector_load %arg7[%swap3A_31, %swap3A_32] {strides = array<i32>} : memref<80x128xf32, #tpu.memory_space<vmem>>, vector<1x16xf32>,
      %swap3A_34 = vector.shape_cast %swap3A_33 : vector<1x16xf32> to vector<16xf32>
      %swap3A_35 = vector.shape_cast %broadcast_in_dim3A_5 : vector<16xf32> to vector<1x16xf32>
      tpu.vector_store %arg7[%swap3A_31, %swap3A_32], %swap3A_35 {strides = array<i32>} : memref<80x128xf32, #tpu.memory_space<vmem>>, vector<1x16xf32>,
      %swap3A_36 = arith.index_cast %add3A_26 : i32 to index
      %swap3A_37 = arith.constant 32 : index
      %swap3A_38 = tpu.vector_load %arg7[%swap3A_36, %swap3A_37] {strides = array<i32>} : memref<80x128xf32, #tpu.memory_space<vmem>>, vector<1x16xf32>,
      %swap3A_39 = vector.shape_cast %swap3A_38 : vector<1x16xf32> to vector<16xf32>
      %swap3A_40 = vector.shape_cast %broadcast_in_dim3A_5 : vector<16xf32> to vector<1x16xf32>
      tpu.vector_store %arg7[%swap3A_36, %swap3A_37], %swap3A_40 {strides = array<i32>} : memref<80x128xf32, #tpu.memory_space<vmem>>, vector<1x16xf32>,
      %swap3A_41 = arith.index_cast %add3A_26 : i32 to index
      %swap3A_42 = arith.constant 48 : index
      %swap3A_43 = tpu.vector_load %arg7[%swap3A_41, %swap3A_42] {strides = array<i32>} : memref<80x128xf32, #tpu.memory_space<vmem>>, vector<1x16xf32>,
      %swap3A_44 = vector.shape_cast %swap3A_43 : vector<1x16xf32> to vector<16xf32>
      %swap3A_45 = vector.shape_cast %broadcast_in_dim3A_5 : vector<16xf32> to vector<1x16xf32>
      tpu.vector_store %arg7[%swap3A_41, %swap3A_42], %swap3A_45 {strides = array<i32>} : memref<80x128xf32, #tpu.memory_space<vmem>>, vector<1x16xf32>,
      %swap3A_46 = arith.index_cast %add3A_26 : i32 to index
      %swap3A_47 = arith.constant 64 : index
      %swap3A_48 = tpu.vector_load %arg7[%swap3A_46, %swap3A_47] {strides = array<i32>} : memref<80x128xf32, #tpu.memory_space<vmem>>, vector<1x16xf32>,
      %swap3A_49 = vector.shape_cast %swap3A_48 : vector<1x16xf32> to vector<16xf32>
      %swap3A_50 = vector.shape_cast %broadcast_in_dim3A_5 : vector<16xf32> to vector<1x16xf32>
      tpu.vector_store %arg7[%swap3A_46, %swap3A_47], %swap3A_50 {strides = array<i32>} : memref<80x128xf32, #tpu.memory_space<vmem>>, vector<1x16xf32>,
      %swap3A_51 = arith.index_cast %add3A_26 : i32 to index
      %swap3A_52 = arith.constant 80 : index
      %swap3A_53 = tpu.vector_load %arg7[%swap3A_51, %swap3A_52] {strides = array<i32>} : memref<80x128xf32, #tpu.memory_space<vmem>>, vector<1x16xf32>,
      %swap3A_54 = vector.shape_cast %swap3A_53 : vector<1x16xf32> to vector<16xf32>
      %swap3A_55 = vector.shape_cast %broadcast_in_dim3A_5 : vector<16xf32> to vector<1x16xf32>
      tpu.vector_store %arg7[%swap3A_51, %swap3A_52], %swap3A_55 {strides = array<i32>} : memref<80x128xf32, #tpu.memory_space<vmem>>, vector<1x16xf32>,
      %swap3A_56 = arith.index_cast %add3A_26 : i32 to index
      %swap3A_57 = arith.constant 96 : index
      %swap3A_58 = tpu.vector_load %arg7[%swap3A_56, %swap3A_57] {strides = array<i32>} : memref<80x128xf32, #tpu.memory_space<vmem>>, vector<1x16xf32>,
      %swap3A_59 = vector.shape_cast %swap3A_58 : vector<1x16xf32> to vector<16xf32>
      %swap3A_60 = vector.shape_cast %broadcast_in_dim3A_5 : vector<16xf32> to vector<1x16xf32>
      tpu.vector_store %arg7[%swap3A_56, %swap3A_57], %swap3A_60 {strides = array<i32>} : memref<80x128xf32, #tpu.memory_space<vmem>>, vector<1x16xf32>,
      %swap3A_61 = arith.index_cast %add3A_26 : i32 to index
      %swap3A_62 = arith.constant 112 : index
      %swap3A_63 = tpu.vector_load %arg7[%swap3A_61, %swap3A_62] {strides = array<i32>} : memref<80x128xf32, #tpu.memory_space<vmem>>, vector<1x16xf32>,
      %swap3A_64 = vector.shape_cast %swap3A_63 : vector<1x16xf32> to vector<16xf32>
      %swap3A_65 = vector.shape_cast %broadcast_in_dim3A_5 : vector<16xf32> to vector<1x16xf32>
      tpu.vector_store %arg7[%swap3A_61, %swap3A_62], %swap3A_65 {strides = array<i32>} : memref<80x128xf32, #tpu.memory_space<vmem>>, vector<1x16xf32>,
    }
    %scan3A_9 = arith.constant 80 : i32
    %add3A_10 = arith.constant 0 : i32
    %add3A_11 = arith.addi %add3A, %add3A_10 : i32
    %dma_start3A = tpu.memref_slice %arg2[%add3A_11] : memref<640000xi32, #tpu.memory_space<hbm>> -> memref<80xi32, #tpu.memory_space<hbm>>
    %dma_start3A_12 = tpu.memref_slice %arg2[%add3A_11] : memref<640000xi32, #tpu.memory_space<hbm>> -> memref<80xi32, #tpu.memory_space<hbm>>
    tpu.enqueue_dma source(%dma_start3A_12 : memref<80xi32, #tpu.memory_space<hbm>>) target(%arg5 : memref<80xi32, #tpu.memory_space<vmem>>) target_semaphore(%arg9 : memref<!tpu.dma_semaphore, #tpu.memory_space<semaphore_mem>>)
    %barrier3A = arith.constant 0 : index
    tpu.barrier barrier_id(%barrier3A)
    %scan3A_13 = arith.constant 0 : i32
    %scan3A_14 = arith.constant 125 : i32
    %scan3A_15 = arith.addi %scan3A_13, %scan3A_14 : i32
    %scan3A_16 = arith.constant 1 : i32
    scf.for %scan3A_22 = %scan3A_13 to %scan3A_15 step %scan3A_16  : i32 {
      %mul3A_23 = arith.constant 2 : i32
      %mul3A_24 = arith.muli %scan3A_22, %mul3A_23 : i32
      %add3A_25 = arith.constant 0 : i32
      %add3A_26 = arith.addi %add3A_25, %mul3A_24 : i32
      %add3A_27 = arith.constant 1 : i32
      %add3A_28 = arith.addi %add3A_26, %add3A_27 : i32
      %mul3A_29 = arith.constant 80 : i32
      %mul3A_30 = arith.muli %add3A_28, %mul3A_29 : i32
      %add3A_31 = arith.addi %add3A, %mul3A_30 : i32
      %dma_start3A_32 = tpu.memref_slice %arg2[%add3A_31] : memref<640000xi32, #tpu.memory_space<hbm>> -> memref<80xi32, #tpu.memory_space<hbm>>
      %dma_start3A_33 = tpu.memref_slice %arg2[%add3A_31] : memref<640000xi32, #tpu.memory_space<hbm>> -> memref<80xi32, #tpu.memory_space<hbm>>
      tpu.enqueue_dma source(%dma_start3A_33 : memref<80xi32, #tpu.memory_space<hbm>>) target(%arg6 : memref<80xi32, #tpu.memory_space<vmem>>) target_semaphore(%arg10 : memref<!tpu.dma_semaphore, #tpu.memory_space<semaphore_mem>>)
      %dma_wait3A_34 = arith.constant 0 : i32
      %dma_wait3A_35 = tpu.memref_slice %arg2[%dma_wait3A_34] : memref<640000xi32, #tpu.memory_space<hbm>> -> memref<80xi32, #tpu.memory_space<hbm>>
      %dma_wait3A_36 = arith.constant 0 : i32
      %dma_wait3A_37 = tpu.memref_slice %arg2[%dma_wait3A_36] : memref<640000xi32, #tpu.memory_space<hbm>> -> memref<80xi32, #tpu.memory_space<hbm>>
      tpu.wait_dma2 semaphore(%arg9 : memref<!tpu.dma_semaphore, #tpu.memory_space<semaphore_mem>>) src(%dma_wait3A_37 : memref<80xi32, #tpu.memory_space<hbm>>) dst(%arg5 : memref<80xi32, #tpu.memory_space<vmem>>)
      "tpu.region"() ({
        %run_scoped3A = tpu.sem_alloc : memref<!tpu.dma_semaphore, #tpu.memory_space<semaphore_mem>>
        %dma_start3A_50 = arith.constant 0 : i32
        %dma_start3A_51 = arith.constant 0 : i32
        %dma_start3A_52 = tpu.memref_slice %arg8[%dma_start3A_50, %dma_start3A_51] : memref<10240x128xf32, #tpu.memory_space<vmem_shared>> -> memref<10240x128xf32, #tpu.memory_space<vmem_shared>>
        tpu.enqueue_indirect_dma source(%arg7 : memref<80x128xf32, #tpu.memory_space<vmem>>) target(%dma_start3A_52 : memref<10240x128xf32, #tpu.memory_space<vmem_shared>>) offsets(%arg5 : memref<80xi32, #tpu.memory_space<vmem>>) semaphore(%run_scoped3A : memref<!tpu.dma_semaphore, #tpu.memory_space<semaphore_mem>>) {add = true}
        %dma_wait3A_53 = arith.constant 0 : i32
        %dma_wait3A_54 = arith.constant 0 : i32
        %dma_wait3A_55 = tpu.memref_slice %arg8[%dma_wait3A_53, %dma_wait3A_54] : memref<10240x128xf32, #tpu.memory_space<vmem_shared>> -> memref<10240x128xf32, #tpu.memory_space<vmem_shared>>
        tpu.wait_indirect_dma semaphore(%run_scoped3A : memref<!tpu.dma_semaphore, #tpu.memory_space<semaphore_mem>>) src(%arg7 : memref<80x128xf32, #tpu.memory_space<vmem>>) dst(%dma_wait3A_55 : memref<10240x128xf32, #tpu.memory_space<vmem_shared>>)
        tpu.yield
      }) : () -> ()
      %add3A_38 = arith.constant 2 : i32
      %add3A_39 = arith.addi %add3A_26, %add3A_38 : i32
      %min3A = arith.constant 249 : i32
      %min3A_40 = arith.minsi %add3A_39, %min3A : i32
      %mul3A_41 = arith.constant 80 : i32
      %mul3A_42 = arith.muli %min3A_40, %mul3A_41 : i32
      %add3A_43 = arith.addi %add3A, %mul3A_42 : i32
      %dma_start3A_44 = tpu.memref_slice %arg2[%add3A_43] : memref<640000xi32, #tpu.memory_space<hbm>> -> memref<80xi32, #tpu.memory_space<hbm>>
      %dma_start3A_45 = tpu.memref_slice %arg2[%add3A_43] : memref<640000xi32, #tpu.memory_space<hbm>> -> memref<80xi32, #tpu.memory_space<hbm>>
      tpu.enqueue_dma source(%dma_start3A_45 : memref<80xi32, #tpu.memory_space<hbm>>) target(%arg5 : memref<80xi32, #tpu.memory_space<vmem>>) target_semaphore(%arg9 : memref<!tpu.dma_semaphore, #tpu.memory_space<semaphore_mem>>)
      %dma_wait3A_46 = arith.constant 0 : i32
      %dma_wait3A_47 = tpu.memref_slice %arg2[%dma_wait3A_46] : memref<640000xi32, #tpu.memory_space<hbm>> -> memref<80xi32, #tpu.memory_space<hbm>>
      %dma_wait3A_48 = arith.constant 0 : i32
      %dma_wait3A_49 = tpu.memref_slice %arg2[%dma_wait3A_48] : memref<640000xi32, #tpu.memory_space<hbm>> -> memref<80xi32, #tpu.memory_space<hbm>>
      tpu.wait_dma2 semaphore(%arg10 : memref<!tpu.dma_semaphore, #tpu.memory_space<semaphore_mem>>) src(%dma_wait3A_49 : memref<80xi32, #tpu.memory_space<hbm>>) dst(%arg6 : memref<80xi32, #tpu.memory_space<vmem>>)
      "tpu.region"() ({
        %run_scoped3A = tpu.sem_alloc : memref<!tpu.dma_semaphore, #tpu.memory_space<semaphore_mem>>
        %dma_start3A_50 = arith.constant 0 : i32
        %dma_start3A_51 = arith.constant 0 : i32
        %dma_start3A_52 = tpu.memref_slice %arg8[%dma_start3A_50, %dma_start3A_51] : memref<10240x128xf32, #tpu.memory_space<vmem_shared>> -> memref<10240x128xf32, #tpu.memory_space<vmem_shared>>
        tpu.enqueue_indirect_dma source(%arg7 : memref<80x128xf32, #tpu.memory_space<vmem>>) target(%dma_start3A_52 : memref<10240x128xf32, #tpu.memory_space<vmem_shared>>) offsets(%arg6 : memref<80xi32, #tpu.memory_space<vmem>>) semaphore(%run_scoped3A : memref<!tpu.dma_semaphore, #tpu.memory_space<semaphore_mem>>) {add = true}
        %dma_wait3A_53 = arith.constant 0 : i32
        %dma_wait3A_54 = arith.constant 0 : i32
        %dma_wait3A_55 = tpu.memref_slice %arg8[%dma_wait3A_53, %dma_wait3A_54] : memref<10240x128xf32, #tpu.memory_space<vmem_shared>> -> memref<10240x128xf32, #tpu.memory_space<vmem_shared>>
        tpu.wait_indirect_dma semaphore(%run_scoped3A : memref<!tpu.dma_semaphore, #tpu.memory_space<semaphore_mem>>) src(%arg7 : memref<80x128xf32, #tpu.memory_space<vmem>>) dst(%dma_wait3A_55 : memref<10240x128xf32, #tpu.memory_space<vmem_shared>>)
        tpu.yield
      }) : () -> ()
    }
    %scan3A_17 = arith.constant 125 : i32
    %dma_wait3A = arith.constant 0 : i32
    %dma_wait3A_18 = tpu.memref_slice %arg2[%dma_wait3A] : memref<640000xi32, #tpu.memory_space<hbm>> -> memref<80xi32, #tpu.memory_space<hbm>>
    %dma_wait3A_19 = arith.constant 0 : i32
    %dma_wait3A_20 = tpu.memref_slice %arg2[%dma_wait3A_19] : memref<640000xi32, #tpu.memory_space<hbm>> -> memref<80xi32, #tpu.memory_space<hbm>>
    tpu.wait_dma2 semaphore(%arg9 : memref<!tpu.dma_semaphore, #tpu.memory_space<semaphore_mem>>) src(%dma_wait3A_20 : memref<80xi32, #tpu.memory_space<hbm>>) dst(%arg5 : memref<80xi32, #tpu.memory_space<vmem>>)
    %barrier3A_21 = arith.constant 0 : index
    tpu.barrier barrier_id(%barrier3A_21)
    "tpu.region"() ({
      %run_scoped3A = tpu.sem_alloc : memref<!tpu.dma_semaphore, #tpu.memory_space<semaphore_mem>>
      %dma_start3A_22 = arith.constant 0 : i32
      %dma_start3A_23 = tpu.memref_slice %arg4[%arg0, %mul3A_4, %dma_start3A_22] : memref<2x10240x128xf32, #tpu.memory_space<hbm>> -> memref<1x640x128xf32, #tpu.memory_space<hbm>>
      %dma_start3A_24 = tpu.memref_squeeze %dma_start3A_23 : memref<1x640x128xf32, #tpu.memory_space<hbm>> -> memref<640x128xf32, #tpu.memory_space<hbm>>
      %dma_start3A_25 = arith.constant 0 : i32
      %dma_start3A_26 = tpu.memref_slice %arg8[%mul3A_4, %dma_start3A_25] : memref<10240x128xf32, #tpu.memory_space<vmem_shared>> -> memref<640x128xf32, #tpu.memory_space<vmem_shared>>
      tpu.enqueue_dma source(%dma_start3A_26 : memref<640x128xf32, #tpu.memory_space<vmem_shared>>) target(%dma_start3A_24 : memref<640x128xf32, #tpu.memory_space<hbm>>) target_semaphore(%run_scoped3A : memref<!tpu.dma_semaphore, #tpu.memory_space<semaphore_mem>>)
      %dma_wait3A_27 = arith.constant 0 : i32
      %dma_wait3A_28 = tpu.memref_slice %arg4[%arg0, %mul3A_4, %dma_wait3A_27] : memref<2x10240x128xf32, #tpu.memory_space<hbm>> -> memref<1x640x128xf32, #tpu.memory_space<hbm>>
      %dma_wait3A_29 = tpu.memref_squeeze %dma_wait3A_28 : memref<1x640x128xf32, #tpu.memory_space<hbm>> -> memref<640x128xf32, #tpu.memory_space<hbm>>
      %dma_wait3A_30 = arith.constant 0 : i32
      %dma_wait3A_31 = tpu.memref_slice %arg8[%mul3A_4, %dma_wait3A_30] : memref<10240x128xf32, #tpu.memory_space<vmem_shared>> -> memref<640x128xf32, #tpu.memory_space<vmem_shared>>
      tpu.wait_dma2 semaphore(%run_scoped3A : memref<!tpu.dma_semaphore, #tpu.memory_space<semaphore_mem>>) src(%dma_wait3A_31 : memref<640x128xf32, #tpu.memory_space<vmem_shared>>) dst(%dma_wait3A_29 : memref<640x128xf32, #tpu.memory_space<hbm>>)
      tpu.yield
    }) : () -> ()
    return
  }
}

module attributes {stable_mosaic.version = 14 : i64} {
  func.func @_prep_body(%arg0: memref<10000x128xf32, #tpu.memory_space<vmem>>, %arg1: memref<2x10240x128xf32, #tpu.memory_space<vmem>>, %arg2: memref<10000x128xf32, #tpu.memory_space<vmem>>, %arg3: memref<10000x1xf32, #tpu.memory_space<vmem>>, %arg4: memref<10000x1xf32, #tpu.memory_space<vmem>>) attributes {dimension_semantics = [], scalar_prefetch = 0 : i64, scratch_operands = 0 : i64, tpu.core_type = #tpu.core_type<tc>} {
    %get3A = arith.constant 0 : index
    %get3A_0 = arith.constant 0 : index
    %get3A_1 = arith.constant 0 : index
    %get3A_2 = vector.load %arg1[%get3A, %get3A_0, %get3A_1] : memref<2x10240x128xf32, #tpu.memory_space<vmem>>, vector<1x10000x1xf32>
    %get3A_3 = vector.shape_cast %get3A_2 : vector<1x10000x1xf32> to vector<10000x1xf32>
    %get3A_4 = arith.constant 1 : index
    %get3A_5 = arith.constant 0 : index
    %get3A_6 = arith.constant 0 : index
    %get3A_7 = vector.load %arg1[%get3A_4, %get3A_5, %get3A_6] : memref<2x10240x128xf32, #tpu.memory_space<vmem>>, vector<1x10000x1xf32>
    %get3A_8 = vector.shape_cast %get3A_7 : vector<1x10000x1xf32> to vector<10000x1xf32>
    %gt3A = arith.constant 0.000000e+00 : f32
    %gt3A_9 = vector.broadcast %gt3A : f32 to vector<10000x1xf32>
    %gt3A_10 = arith.cmpf ogt, %get3A_3, %gt3A_9 : vector<10000x1xf32>
    %rsqrt3A = math.rsqrt %get3A_3 : vector<10000x1xf32>
    %jit3A = arith.constant 0.000000e+00 : f32
    %broadcast_in_dim3A = vector.broadcast %jit3A : f32 to vector<10000x1xf32>
    %select_n3A = arith.select %gt3A_10, %rsqrt3A, %broadcast_in_dim3A : vector<10000x1xi1>, vector<10000x1xf32>
    %gt3A_11 = arith.constant 0.000000e+00 : f32
    %gt3A_12 = vector.broadcast %gt3A_11 : f32 to vector<10000x1xf32>
    %gt3A_13 = arith.cmpf ogt, %get3A_8, %gt3A_12 : vector<10000x1xf32>
    %rsqrt3A_14 = math.rsqrt %get3A_8 : vector<10000x1xf32>
    %jit3A_15 = arith.constant 0.000000e+00 : f32
    %broadcast_in_dim3A_16 = vector.broadcast %jit3A_15 : f32 to vector<10000x1xf32>
    %select_n3A_17 = arith.select %gt3A_13, %rsqrt3A_14, %broadcast_in_dim3A_16 : vector<10000x1xi1>, vector<10000x1xf32>
    %swap3A = arith.constant 0 : index
    %swap3A_18 = arith.constant 0 : index
    %swap3A_19 = vector.load %arg3[%swap3A, %swap3A_18] : memref<10000x1xf32, #tpu.memory_space<vmem>>, vector<10000x1xf32>
    tpu.vector_store %arg3[%swap3A, %swap3A_18], %select_n3A {strides = array<i32>} : memref<10000x1xf32, #tpu.memory_space<vmem>>, vector<10000x1xf32>,
    %swap3A_20 = arith.constant 0 : index
    %swap3A_21 = arith.constant 0 : index
    %swap3A_22 = vector.load %arg4[%swap3A_20, %swap3A_21] : memref<10000x1xf32, #tpu.memory_space<vmem>>, vector<10000x1xf32>
    tpu.vector_store %arg4[%swap3A_20, %swap3A_21], %select_n3A_17 {strides = array<i32>} : memref<10000x1xf32, #tpu.memory_space<vmem>>, vector<10000x1xf32>,
    %get3A_23 = arith.constant 0 : index
    %get3A_24 = arith.constant 0 : index
    %get3A_25 = vector.load %arg0[%get3A_23, %get3A_24] : memref<10000x128xf32, #tpu.memory_space<vmem>>, vector<10000x128xf32>
    %mul3A = vector.broadcast %select_n3A : vector<10000x1xf32> to vector<10000x128xf32>
    %mul3A_26 = arith.mulf %get3A_25, %mul3A : vector<10000x128xf32>
    %swap3A_27 = arith.constant 0 : index
    %swap3A_28 = arith.constant 0 : index
    %swap3A_29 = vector.load %arg2[%swap3A_27, %swap3A_28] : memref<10000x128xf32, #tpu.memory_space<vmem>>, vector<10000x128xf32>
    tpu.vector_store %arg2[%swap3A_27, %swap3A_28], %mul3A_26 {strides = array<i32>} : memref<10000x128xf32, #tpu.memory_space<vmem>>, vector<10000x128xf32>,
    return
  }
}

module attributes {stable_mosaic.version = 14 : i64} {
  func.func @_layer1_body(%arg0: memref<2x10240x128xf32, #tpu.memory_space<vmem>>, %arg1: memref<10000x1xf32, #tpu.memory_space<vmem>>, %arg2: memref<10000x1xf32, #tpu.memory_space<vmem>>, %arg3: memref<128x128xf32, #tpu.memory_space<vmem>>, %arg4: memref<1x128xf32, #tpu.memory_space<vmem>>, %arg5: memref<10000x128xf32, #tpu.memory_space<vmem>>) attributes {dimension_semantics = [], scalar_prefetch = 0 : i64, scratch_operands = 0 : i64, tpu.core_type = #tpu.core_type<tc>} {
    %get3A = arith.constant 0 : index
    %get3A_0 = arith.constant 0 : index
    %get3A_1 = arith.constant 0 : index
    %get3A_2 = vector.load %arg0[%get3A, %get3A_0, %get3A_1] : memref<2x10240x128xf32, #tpu.memory_space<vmem>>, vector<1x10000x128xf32>
    %get3A_3 = vector.shape_cast %get3A_2 : vector<1x10000x128xf32> to vector<10000x128xf32>
    %get3A_4 = arith.constant 1 : index
    %get3A_5 = arith.constant 0 : index
    %get3A_6 = arith.constant 0 : index
    %get3A_7 = vector.load %arg0[%get3A_4, %get3A_5, %get3A_6] : memref<2x10240x128xf32, #tpu.memory_space<vmem>>, vector<1x10000x128xf32>
    %get3A_8 = vector.shape_cast %get3A_7 : vector<1x10000x128xf32> to vector<10000x128xf32>
    %add3A = arith.addf %get3A_3, %get3A_8 : vector<10000x128xf32>
    %get3A_9 = arith.constant 0 : index
    %get3A_10 = arith.constant 0 : index
    %get3A_11 = vector.load %arg1[%get3A_9, %get3A_10] : memref<10000x1xf32, #tpu.memory_space<vmem>>, vector<10000x1xf32>
    %mul3A = vector.broadcast %get3A_11 : vector<10000x1xf32> to vector<10000x128xf32>
    %mul3A_12 = arith.mulf %add3A, %mul3A : vector<10000x128xf32>
    %get3A_13 = arith.constant 0 : index
    %get3A_14 = arith.constant 0 : index
    %get3A_15 = vector.load %arg3[%get3A_13, %get3A_14] : memref<128x128xf32, #tpu.memory_space<vmem>>, vector<128x128xf32>
    %dot_general3A = arith.constant dense<0.000000e+00> : vector<10000x128xf32>
    %dot_general3A_16 = tpu.matmul %mul3A_12, %get3A_15, %dot_general3A {dimension_numbers = #tpu.dot_dimension_numbers<[1], [0], [0], [1], [0, 0, 1, 1], [], []>, transpose_lhs_hint = false} : vector<10000x128xf32>, vector<128x128xf32>, vector<10000x128xf32> -> vector<10000x128xf32>
    %get3A_17 = arith.constant 0 : index
    %get3A_18 = arith.constant 0 : index
    %get3A_19 = vector.load %arg4[%get3A_17, %get3A_18] : memref<1x128xf32, #tpu.memory_space<vmem>>, vector<1x128xf32>
    %add3A_20 = vector.broadcast %get3A_19 : vector<1x128xf32> to vector<10000x128xf32>
    %add3A_21 = arith.addf %dot_general3A_16, %add3A_20 : vector<10000x128xf32>
    %max3A = arith.constant 0.000000e+00 : f32
    %max3A_22 = vector.broadcast %max3A : f32 to vector<10000x128xf32>
    %max3A_23 = arith.maximumf %add3A_21, %max3A_22 : vector<10000x128xf32>
    %get3A_24 = arith.constant 0 : index
    %get3A_25 = arith.constant 0 : index
    %get3A_26 = vector.load %arg2[%get3A_24, %get3A_25] : memref<10000x1xf32, #tpu.memory_space<vmem>>, vector<10000x1xf32>
    %mul3A_27 = vector.broadcast %get3A_26 : vector<10000x1xf32> to vector<10000x128xf32>
    %mul3A_28 = arith.mulf %max3A_23, %mul3A_27 : vector<10000x128xf32>
    %swap3A = arith.constant 0 : index
    %swap3A_29 = arith.constant 0 : index
    %swap3A_30 = vector.load %arg5[%swap3A, %swap3A_29] : memref<10000x128xf32, #tpu.memory_space<vmem>>, vector<10000x128xf32>
    tpu.vector_store %arg5[%swap3A, %swap3A_29], %mul3A_28 {strides = array<i32>} : memref<10000x128xf32, #tpu.memory_space<vmem>>, vector<10000x128xf32>,
    return
  }
}

module attributes {stable_mosaic.version = 14 : i64} {
  func.func @_layer2_body(%arg0: memref<2x10240x128xf32, #tpu.memory_space<vmem>>, %arg1: memref<10000x1xf32, #tpu.memory_space<vmem>>, %arg2: memref<128x128xf32, #tpu.memory_space<vmem>>, %arg3: memref<1x128xf32, #tpu.memory_space<vmem>>, %arg4: memref<10000x128xf32, #tpu.memory_space<vmem>>) attributes {dimension_semantics = [], scalar_prefetch = 0 : i64, scratch_operands = 0 : i64, tpu.core_type = #tpu.core_type<tc>} {
    %get3A = arith.constant 0 : index
    %get3A_0 = arith.constant 0 : index
    %get3A_1 = arith.constant 0 : index
    %get3A_2 = vector.load %arg0[%get3A, %get3A_0, %get3A_1] : memref<2x10240x128xf32, #tpu.memory_space<vmem>>, vector<1x10000x128xf32>
    %get3A_3 = vector.shape_cast %get3A_2 : vector<1x10000x128xf32> to vector<10000x128xf32>
    %get3A_4 = arith.constant 1 : index
    %get3A_5 = arith.constant 0 : index
    %get3A_6 = arith.constant 0 : index
    %get3A_7 = vector.load %arg0[%get3A_4, %get3A_5, %get3A_6] : memref<2x10240x128xf32, #tpu.memory_space<vmem>>, vector<1x10000x128xf32>
    %get3A_8 = vector.shape_cast %get3A_7 : vector<1x10000x128xf32> to vector<10000x128xf32>
    %add3A = arith.addf %get3A_3, %get3A_8 : vector<10000x128xf32>
    %get3A_9 = arith.constant 0 : index
    %get3A_10 = arith.constant 0 : index
    %get3A_11 = vector.load %arg1[%get3A_9, %get3A_10] : memref<10000x1xf32, #tpu.memory_space<vmem>>, vector<10000x1xf32>
    %mul3A = vector.broadcast %get3A_11 : vector<10000x1xf32> to vector<10000x128xf32>
    %mul3A_12 = arith.mulf %add3A, %mul3A : vector<10000x128xf32>
    %get3A_13 = arith.constant 0 : index
    %get3A_14 = arith.constant 0 : index
    %get3A_15 = vector.load %arg2[%get3A_13, %get3A_14] : memref<128x128xf32, #tpu.memory_space<vmem>>, vector<128x128xf32>
    %dot_general3A = arith.constant dense<0.000000e+00> : vector<10000x128xf32>
    %dot_general3A_16 = tpu.matmul %mul3A_12, %get3A_15, %dot_general3A {dimension_numbers = #tpu.dot_dimension_numbers<[1], [0], [0], [1], [0, 0, 1, 1], [], []>, transpose_lhs_hint = false} : vector<10000x128xf32>, vector<128x128xf32>, vector<10000x128xf32> -> vector<10000x128xf32>
    %get3A_17 = arith.constant 0 : index
    %get3A_18 = arith.constant 0 : index
    %get3A_19 = vector.load %arg3[%get3A_17, %get3A_18] : memref<1x128xf32, #tpu.memory_space<vmem>>, vector<1x128xf32>
    %add3A_20 = vector.broadcast %get3A_19 : vector<1x128xf32> to vector<10000x128xf32>
    %add3A_21 = arith.addf %dot_general3A_16, %add3A_20 : vector<10000x128xf32>
    %swap3A = arith.constant 0 : index
    %swap3A_22 = arith.constant 0 : index
    %swap3A_23 = vector.load %arg4[%swap3A, %swap3A_22] : memref<10000x128xf32, #tpu.memory_space<vmem>>, vector<10000x128xf32>
    tpu.vector_store %arg4[%swap3A, %swap3A_22], %add3A_21 {strides = array<i32>} : memref<10000x128xf32, #tpu.memory_space<vmem>>, vector<10000x128xf32>,
    return
  }
}

</mosaic_0001>

<sc_bundles>
// kernel: kernel.11.cloned.1.call-start
scs
__scs_entry_jumppad:
0x0: {  	(pc) =	sbr.rel $0x88, $3  }
0x1: {  	(tag) =	ssettag $0x0;
	lr =	simm.s32 $0x1  }
0x2: {  	[smem:$0x3F9B] =	sst lr;
	_ =	strace $0xD0000000  }
0x3: {  	_ = 	snop  }
0x4: {  	_ = 	snop  }
0x5: {  	_ = 	snop  }
0x6: {  	_ = 	snop  }
0x7: {  	_ = 	snop  }
__scs_overlays_trampoline_lowered:
0x8: {  	[smem:$0x3FAA] =	sst s0  }
0x9: {  	[smem:$0x3FAB] =	sst s1  }
0xa: {  	[smem:$0x3FAC] =	sst s2  }
0xb: {  	[smem:$0x3FAD] =	sst s3  }
0xc: {  	[smem:$0x3FAE] =	sst s4  }
0xd: {  	[smem:$0x3FAF] =	sst s5  }
0xe: {  	[smem:$0x3FB0] =	sst s6  }
0xf: {  	[smem:$0x3FB1] =	sst s7  }
0x10: {  	[smem:$0x3FB2] =	sst s8  }
0x11: {  	[smem:$0x3FB3] =	sst s9;
	s0 =	simm.s32 @!p0 $0x0  }
0x12: {  	s1 =	sld [smem:$0x3F99];
	s0 =	simm.s32 @p0 $0x1  }
0x13: {  	[smem:$0x3FB4] =	sst s0;
	s0 =	simm.s32 @!p1 $0x0  }
0x14: {  	s2 =	sld [smem:$0x3F98];
	s0 =	simm.s32 @p1 $0x1  }
0x15: {  	[smem:$0x3FB5] =	sst s0;
	s0 =	simm.s32 @!p2 $0x0  }
0x16: {  	s3 =	sld [smem:$0x3FDB];
	s0 =	simm.s32 @p2 $0x1  }
0x17: {  	s4 =	simm.s32 $0x1BF5;
	[smem:$0x3FB7] =	sst s0  }
0x18: {  	s0 =	sld [smem:$0x3F9A];
	_ =	swait.ge [sflag:s4], $0x0  }
0x19: {  	s7 =	sld [smem:$0x3F9B]  }
0x1a: {  	s8 =	sadd.s32 $0xFFFFE003, lr  }
0x1b: {  	s9 =	sadd.s32 $0xFFFFFEF7, lr;
	s5 =	simm.s32 $0xFFFFFFFF;
	p2 =	slt.u32 s8, $0xFFFFF086  }
0x1c: {  	p1 =	slt.u32 s9, $0xF7A;
	s5 =	simm.s32 @!p2 $0x0  }
0x1d: {  	s5 =	simm.s32 @p1 $0x1;
	p0 =	seq.s32 s7, s2  }
0x1e: {  	s7 =	smul.u32 @!p0 $0xF7A, s2;
	p2 =	seq.s32 @!p0 s5, $0x0  }
0x1f: {  	s9 =	smul.u32 $0xF7A, s1;
	s8 =	simm.s32 @!p0 $0x1BF5;
	p2 =	por !p2, p0  }
0x20: {  	[sflag:s8] =	ssyncset.s32 @!p0 $0xFFFFF086;
	s6 =	sadd.s32 @!p0 s3, s7;
	s7 =	simm.s32 @!p0 $0x108  }
0x21: {  	s3 =	sadd.s32 s3, s9;
	s6 =	sadd.s32 @!p0 $0x88, s6;
	s7 =	simm.s32 @p2 $0x1082  }
0x22: {  	[simem:s7], [sflag:s8] =	dma.local @!p0 [hbm:s6], $0xF7A  }
0x23: {  	s9 =	sor.u32 $0xD0000000, s2;
	s6 =	simm.s32 $0x108;
	_ =	swait.ge @!p0 [sflag:s8], $0x0  }
0x24: {  	s3 =	sadd.s32 $0x88, s3;
	s6 =	simm.s32 @!p1 $0x1082;
	[sflag:s4] =	ssyncset.s32 $0xFFFFF086  }
0x25: {  	[simem:s6], [sflag:s4] =	dma.local [hbm:s3], $0xF7A  }
0x26: {  	[smem:$0x3F9B] =	sst s1;
	(tag) =	ssettag s2;
	_ =	strace s9  }
0x27: {  	s1 =	sld [smem:$0x3FAB]  }
0x28: {  	s2 =	sld [smem:$0x3FAC]  }
0x29: {  	s4 =	sld [smem:$0x3FAE]  }
0x2a: {  	p0 =	seq.s32 s5, $0x0;
	s5 =	sld [smem:$0x3FAF]  }
0x2b: {  	s6 =	sld [smem:$0x3FB0]  }
0x2c: {  	s7 =	sld [smem:$0x3FB1]  }
0x2d: {  	s3 =	simm.s32 $0x108;
	s8 =	sld [smem:$0x3FB2]  }
0x2e: {  	s3 =	simm.s32 @!p0 $0x1082;
	s9 =	sld [smem:$0x3FB3]  }
0x2f: {  	lr =	sadd.s32 s0, s3;
	s0 =	sld [smem:$0x3FAA]  }
0x30: {  	s3 =	sld [smem:$0x3FAD]  }
0x31: {  	[smem:$0x3FB6] =	sst s10  }
0x32: {  	s10 =	sld [smem:$0x3FB4];
	_ =	sdelay $0x3  }
0x33: {  	p0 =	seq.s32 s10, $0x1;
	s10 =	sld [smem:$0x3FB6];
	_ =	sdelay $0x3  }
0x34: {  	[smem:$0x3FB6] =	sst s10  }
0x35: {  	s10 =	sld [smem:$0x3FB5];
	_ =	sdelay $0x3  }
0x36: {  	p1 =	seq.s32 s10, $0x1;
	s10 =	sld [smem:$0x3FB6];
	_ =	sdelay $0x3  }
0x37: {  	[smem:$0x3FB6] =	sst s10  }
0x38: {  	s10 =	sld [smem:$0x3FB7]  }
0x39: {  	_ = 	snop;
	(pc) =	sbr.ind lr, $3  }
0x3a: {  	_ = 	snop  }
0x3b: {  	_ = 	snop  }
0x3c: {  	p2 =	seq.s32 s10, $0x1;
	s10 =	sld [smem:$0x3FB6]  }
0x3d: {  	_ =	shalt  }
0x3e: {  	_ =	shalt  }
0x3f: {  	_ =	shalt  }
0x40: {  	_ =	shalt  }
0x41: {  	_ =	shalt  }
0x42: {  	_ =	shalt  }
0x43: {  	_ =	shalt  }
0x44: {  	_ =	shalt  }
0x45: {  	_ =	shalt  }
0x46: {  	_ =	shalt  }
0x47: {  	_ =	shalt  }
0x48: {  	_ =	shalt  }
0x49: {  	_ =	shalt  }
0x4a: {  	_ =	shalt  }
0x4b: {  	_ =	shalt  }
0x4c: {  	_ =	shalt  }
0x4d: {  	_ =	shalt  }
0x4e: {  	_ =	shalt  }
0x4f: {  	_ =	shalt  }
0x50: {  	_ =	shalt  }
0x51: {  	_ =	shalt  }
0x52: {  	_ =	shalt  }
0x53: {  	_ =	shalt  }
0x54: {  	_ =	shalt  }
0x55: {  	_ =	shalt  }
0x56: {  	_ =	shalt  }
0x57: {  	_ =	shalt  }
0x58: {  	_ =	shalt  }
0x59: {  	_ =	shalt  }
0x5a: {  	_ =	shalt  }
0x5b: {  	_ =	shalt  }
0x5c: {  	_ =	shalt  }
0x5d: {  	_ =	shalt  }
0x5e: {  	_ =	shalt  }
0x5f: {  	_ =	shalt  }
0x60: {  	_ =	shalt  }
0x61: {  	_ =	shalt  }
0x62: {  	_ =	shalt  }
0x63: {  	_ =	shalt  }
0x64: {  	_ =	shalt  }
0x65: {  	_ =	shalt  }
0x66: {  	_ =	shalt  }
0x67: {  	_ =	shalt  }
0x68: {  	_ =	shalt  }
0x69: {  	_ =	shalt  }
0x6a: {  	_ =	shalt  }
0x6b: {  	_ =	shalt  }
0x6c: {  	_ =	shalt  }
0x6d: {  	_ =	shalt  }
0x6e: {  	_ =	shalt  }
0x6f: {  	_ =	shalt  }
0x70: {  	_ =	shalt  }
0x71: {  	_ =	shalt  }
0x72: {  	_ =	shalt  }
0x73: {  	_ =	shalt  }
0x74: {  	_ =	shalt  }
0x75: {  	_ =	shalt  }
0x76: {  	_ =	shalt  }
0x77: {  	_ =	shalt  }
0x78: {  	_ =	shalt  }
0x79: {  	_ =	shalt  }
0x7a: {  	_ =	shalt  }
0x7b: {  	_ =	shalt  }
0x7c: {  	_ =	shalt  }
0x7d: {  	_ =	shalt  }
0x7e: {  	_ =	shalt  }
0x7f: {  	_ =	shalt  }
0x80: {  	_ =	shalt  }
0x81: {  	_ =	shalt  }
0x82: {  	_ =	shalt  }
0x83: {  	_ =	shalt  }
0x84: {  	_ =	shalt  }
0x85: {  	_ =	shalt  }
0x86: {  	_ =	shalt  }
0x87: {  	_ =	shalt  }
.Lfunc_end0:
.L_simem_size_0:
called_computation.1_lowered:
.L_overlay_start_0:
0x88: {  	s2 =	sld [smem:$0x3FD9]  }
0x89: {  	s3 =	sld [smem:$0x3FFE];
	_ =	sdelay $0x1  }
0x8a: {  	s1 =	srdreg.scid  }
0x8b: {  	s0 =	sand.u32 $0x1, s1  }
0x8c: {  	s17 =	sshll.u32 s0, $0xA;
	s2 =	sadd.s32 s3, s2  }
0x8d: {  	s2 =	sadd.s32 s2, s17  }
0x8e: {  	[smem:$0x3FC2] =	sst s2  }
0x8f: {  	_ = 	snop  }
0x90: {  	s2 =	sld [smem:$0x3FD0];
	(tm) =	ssettm $0x1  }
0x91: {  	s18 =	sld [smem:$0x3FFB];
	_ =	sdelay $0x3  }
0x92: {  	_ =	strace s18  }
0x93: {  	s3 =	sld [smem:$0x3FFC];
	_ =	sdelay $0x3  }
0x94: {  	_ =	strace s3  }
0x95: {  	s3 =	sld [smem:$0x3FFD];
	_ =	sdelay $0x3  }
0x96: {  	_ =	strace s3  }
0x97: {  	_ =	strace $0x8FFFFFFF  }
0x98: {  	s19 =	sld [smem:$0x3FDB];
	_ =	sdelay $0x1  }
0x99: {  	s4 =	simm.s32 $_scs_section_size  }
0x9a: {  	s5 =	simm.s32 $_size__tile_overlayer_lowered;
	s6 =	simm.s32 $_tile_overlayer_lowered  }
0x9b: {  	s22 =	simm.s32 $0x1BFF;
	s21 =	sshll.u32 s6, $0x1;
	s3 =	sadd.s32 s4, s19  }
0x9c: {  	s7 =	simm.s32 $0x0;
	s20 =	sshll.u32 s5, $0x1;
	s5 =	sadd.s32 s21, s3  }
0x9d: {  	[timem:s7], [sflag:s22] =	dma.local [hbm:s5], s20  }
0x9e: {  	_ =	swait.ge [sflag:s22], s20  }
0x9f: {  	s4 =	ssub.s32 $0x0, s20;
	[sflag:s22] =	ssyncset.done $0x0  }
0xa0: {  	[sflag:s22] =	ssyncadd.s32 s4;
	_ =	sdelay $0x1  }
0xa1: {  	s23 =	simm.s32 $0x1B8B  }
0xa2: {  	_ =	swait.ge [sflag:s23], $0x1  }
0xa3: {  	[sflag:s23] =	ssyncset.done $0x0  }
0xa4: {  	s25 =	simm.s32 $0x1B8E;
	s24 =	sld [smem:$0x3FFE];
	[sflag:s23] =	ssyncadd.s32 $0xFFFFFFFF  }
0xa5: {  	s26 =	simm.s32 $execute0_lowered;
	[smem:$0x3FD2] =	sst s25  }
0xa6: {  	s5 =	sshll.u32 s26, $0x1;
	_ =	strace $0x80000049;
	[dreg:$0x1] =	wrdreg $0xFFFFFFFF  }
0xa7: {  	s28 =	simm.s32 $_size_execute0_lowered;
	s3 =	sadd.s32 s3, s5;
	[dreg:$0x0] =	wrdreg $0x0  }
0xa8: {  	s5 =	sshll.u32 s28, $0x1;
	[dreg:$0x2] =	wrdreg s3  }
0xa9: {  	[dreg:$0x3] =	wrdreg s5  }
0xaa: {  	[dreg:$0x4] =	wrdreg $0xC0  }
0xab: {  	_ =	task [dreg:s7], $0x5FFFF  }
0xac: {  	[dreg:$0x1] =	wrdreg $0xFFFFFFFF  }
0xad: {  	[dreg:$0x0] =	wrdreg $0x60  }
0xae: {  	[dreg:$0x2] =	wrdreg s2  }
0xaf: {  	[dreg:$0x3] =	wrdreg s24  }
0xb0: {  	[dreg:$0x4] =	wrdreg $0x52000  }
0xb1: {  	[dreg:$0x5] =	wrdreg $0x9  }
0xb2: {  	_ =	task.clear_ibuf [dreg:s7], $0x6FFFF;
	_ =	strace $0x90000049  }
0xb3: {  	s29 =	simm.s32 $0x9;
	_ =	strace $0x8000004B  }
0xb4: {  	_ =	swait.ge [sflag:s29], $0x1  }
0xb5: {  	[sflag:s29] =	ssyncadd.s32 $0xFFFFFFFF  }
0xb6: {  	_ =	strace $0x9000004B  }
0xb7: {  	_ =	sfence  }
0xb8: {  	s30 =	sld [smem:$0x0];
	_ =	sdelay $0x2  }
0xb9: {  	s31 =	sshll.u32 s1, $0xD;
	s1 =	sshrl.u32 s1, $0x2  }
0xba: {  	s3 =	sand.u32 $0x4000, s31;
	s1 =	sadd.s32 s1, s30  }
0xbb: {  	s0 =	sor.u32 s3, s0;
	s1 =	sshll.u32 s1, $0x11  }
0xbc: {  	s0 =	sor.u32 s1, s0  }
0xbd: {  	s0 =	sadd.s32 $0x8F2B, s0  }
0xbe: {  	[sflag:s0] =	ssyncadd.remote.s32 $0x1  }
0xbf: {  	_ =	sfence.sel $0xFFFF  }
0xc0: {  	[dreg:$0x0] =	wrdreg $0xFFFFFFFF;
	(pc) =	sbr.abs _section_cstart, $3  }
0xc1: {  	[dreg:$0x1] =	wrdreg $0xFFFFFFFF  }
0xc2: {  	_ =	task.clear_ibuf [dreg:s7], $0x2FFFF;
	_ =	strace $0x9FFFFFFF  }
0xc3: {  	(tm) =	ssettm $0x7FFFFFFF  }
tec
execute0_lowered:
.L_overlay_start_1:
0x0: {  	(tag) =	ssettag $0x1  }
0x1: {  	s1 =	rddreg [dreg:$0x0]  }
0x2: {  	s7 =	rddreg [dreg:$0x1]  }
0x3: {  	s3 =	rddreg [dreg:$0x2]  }
0x4: {  	s4 =	simm.s32 $0x0;
	s0 =	stileid.u32;
	s5 =	srdreg.scid  }
0x5: {  	s18 =	simm.s32 $0x80;
	s19 =	simm.s32 $0x50;
	s20 =	simm.s32 $0x200  }
0x6: {  	s21 =	simm.s32 $0x100;
	s22 =	simm.s32 $0x180;
	s8 =	smul.u32 $0x14000, s0  }
0x7: {  	[smem:$0x7FF] =	sst s4;
	s9 =	sand.u32 $0x1, s5;
	s25 =	smul.u32 $0x50000, s0  }
0x8: {  	s5 =	sadd.s32 $0x83C00, s7;
	s6 =	sadd.s32 $0x79E00, s7;
	s14 =	smul.u32 $0x2710, s0  }
0x9: {  	s30 =	sshll.u32 s0, $0x6;
	_ =	strace $0x8000004A;
	s10 =	smul.u32 $0x140000, s9  }
0xa: {  	s11 =	sshll.u32 s9, $0x4;
	s26 =	ssub.s32 $0x2, s9;
	s28 =	smul.u32 $0x27100, s9  }
0xb: {  	s11 =	sor.u32 s0, s11;
	s12 =	sshrl.u32 s8, $0x3;
	s29 =	sshrl.u32 s26, $0x1  }
0xc: {  	s8 =	sadd.s32 s8, s10;
	s23 =	smul.u32 $0x2710, s11;
	s24 =	sadd.s32 s12, s7  }
0xd: {  	s12 =	sshrl.u32 s25, $0x2;
	s15 =	ssub.s32 s26, s29;
	s14 =	sadd.s32 s14, s28  }
0xe: {  	s25 =	simm.s32 $0x2;
	s26 =	simm.s32 $0x0;
	s8 =	sshrl.u32 s8, $0x3  }
0xf: {  	s16 =	sadd.s32 s12, s3;
	s31 =	sadd.s32 $0x50, s14;
	s12 =	smax.u32 s15, $0x1  }
0x10: {  	s13 =	sadd.s32 s8, s7;
	s7 =	sadd.s32 $0x1E00, s24;
	s10 =	sshrl.u32 s23, $0x3  }
0x11: {  	s8 =	sor.u32 $0x1C03, s30;
	s17 =	sshrl.u32 s31, $0x3;
	s16 =	sshrl.u32 s16, $0x3  }
0x12: {  	s23 =	simm.s32 $0x2A00;
	s24 =	simm.s32 $0x1;
	s9 =	sadd.s32 s5, s10  }
0x13: {  	s10 =	sadd.s32 s6, s10;
	s11 =	sadd.s32 $0x29E00, s13;
	s13 =	sadd.s32 $0xA0, s14  }
0x14: {  	s14 =	sadd.s32 s17, s6;
	s15 =	sadd.s32 s17, s5;
	s17 =	simm.s32 $0x3  }
.LBB2_1:
0x15: {  	[spmem:s16], [sflag:s8] =	dma.local [hbm:s7], $0x2800  }
0x16: {  	_ =	swait.ge [sflag:s17], $0x2800  }
0x17: {  	[sflag:s17] =	ssyncset.done $0x0  }
0x18: {  	[sflag:s17] =	ssyncadd.s32 $0xFFFFD800  }
0x19: {  	[tilespmem:s4], [sflag:$0x3] =	stream.linear.gather [hbm4b:s9+s4], $0x50, $0x38;
	[tilespmem:$0x19200] =	vst v63  }
0x1a: {  	_ =	swait.ge [sflag:s17], $0x50  }
0x1b: {  	[sflag:s17] =	ssyncset.done $0x0  }
0x1c: {  	[sflag:s17] =	ssyncadd.s32 $0xFFFFFFB0  }
0x1d: {  	[tilespmem:s18], [sflag:$0x3] =	stream.linear.gather [hbm4b:s10+s4], $0x50, $0x38;
	[tilespmem:$0x19200] =	vst v63  }
0x1e: {  	_ =	swait.ge [sflag:s17], $0x50  }
0x1f: {  	[sflag:s17] =	ssyncset.done $0x0  }
0x20: {  	[sflag:s17] =	ssyncadd.s32 $0xFFFFFFB0  }
0x21: {  	[tilespmem:s20], [sflag:$0x1] =	stream.indirect.gather [hbm4b:s1+s19], $0x80, s4, s19, $0xb8;
	[tilespmem:$0x19200] =	vst v63  }
0x22: {  	s28 =	sadd.s32 $0x0, s15;
	[bflag:$0x0] =	sbarrier.arrive $0xFFFF  }
0x23: {  	[tilespmem:s21], [sflag:$0x3] =	stream.linear.gather [hbm4b:s28+s4], $0x50, $0x38;
	[tilespmem:$0x19200] =	vst v63  }
0x24: {  	_ =	swait.ge [sflag:s17], $0x50  }
0x25: {  	[sflag:s17] =	ssyncset.done $0x0  }
0x26: {  	s28 =	sadd.s32 $0x0, s14;
	[sflag:s17] =	ssyncadd.s32 $0xFFFFFFB0  }
0x27: {  	[tilespmem:s22], [sflag:$0x3] =	stream.linear.gather [hbm4b:s28+s4], $0x50, $0x38;
	[tilespmem:$0x19200] =	vst v63  }
0x28: {  	_ =	swait.ge [sflag:s17], $0x50  }
0x29: {  	[sflag:s17] =	ssyncset.done $0x0  }
0x2a: {  	[sflag:s17] =	ssyncadd.s32 $0xFFFFFFB0  }
0x2b: {  	[tilespmem:s23], [sflag:$0x2] =	stream.indirect.gather [hbm4b:s1+s19], $0x80, s21, s19, $0xb8;
	[tilespmem:$0x19200] =	vst v63  }
0x2c: {  	_ =	swait.ge [sflag:s24], $0x2800  }
0x2d: {  	[sflag:s24] =	ssyncset.done $0x0  }
0x2e: {  	[sflag:s24] =	ssyncadd.s32 $0xFFFFD800  }
0x2f: {  	[spmem:s3] =	stream.indirect.scatter.add.f32 [tilespmem:s20], [sflag:$0x3], $0x80, s18, s19, $0xb8;
	[tilespmem:$0x19200] =	vst v63  }
0x30: {  	_ =	swait.ge [sflag:s17], $0x2800  }
0x31: {  	s28 =	sshrl.u32 s13, $0x3;
	[sflag:s17] =	ssyncset.done $0x0  }
0x32: {  	s29 =	sadd.s32 s5, s28;
	[sflag:s17] =	ssyncadd.s32 $0xFFFFD800  }
0x33: {  	[tilespmem:s4], [sflag:$0x3] =	stream.linear.gather [hbm4b:s29+s4], $0x50, $0x38;
	[tilespmem:$0x19200] =	vst v63  }
0x34: {  	_ =	swait.ge [sflag:s17], $0x50  }
0x35: {  	[sflag:s17] =	ssyncset.done $0x0  }
0x36: {  	s28 =	sadd.s32 s6, s28;
	[sflag:s17] =	ssyncadd.s32 $0xFFFFFFB0  }
0x37: {  	[tilespmem:s18], [sflag:$0x3] =	stream.linear.gather [hbm4b:s28+s4], $0x50, $0x38;
	[tilespmem:$0x19200] =	vst v63  }
0x38: {  	_ =	swait.ge [sflag:s17], $0x50  }
0x39: {  	[sflag:s17] =	ssyncset.done $0x0  }
0x3a: {  	[sflag:s17] =	ssyncadd.s32 $0xFFFFFFB0  }
0x3b: {  	[tilespmem:s20], [sflag:$0x1] =	stream.indirect.gather [hbm4b:s1+s19], $0x80, s4, s19, $0xb8;
	[tilespmem:$0x19200] =	vst v63  }
0x3c: {  	_ =	swait.ge [sflag:s25], $0x2800  }
0x3d: {  	[sflag:s25] =	ssyncset.done $0x0  }
0x3e: {  	[sflag:s25] =	ssyncadd.s32 $0xFFFFD800  }
0x3f: {  	[spmem:s3] =	stream.indirect.scatter.add.f32 [tilespmem:s23], [sflag:$0x3], $0x80, s22, s19, $0xb8;
	[tilespmem:$0x19200] =	vst v63  }
0x40: {  	s31 =	simm.s32 $0x28;
	_ =	swait.ge [sflag:s17], $0x2800  }
0x41: {  	s29 =	simm.s32 $0x14;
	s28 =	sadd.s32 $0xA0, s13;
	[sflag:s17] =	ssyncset.done $0x0  }
.LBB2_2:
0x42: {  	s0 =	sadd.s32 s29, s15  }
0x43: {  	[sflag:s17] =	ssyncadd.s32 $0xFFFFD800;
	s2 =	smov.u32 s31;
	s30 =	sadd.s32 $0x14, s31  }
0x44: {  	[tilespmem:s21], [sflag:$0x3] =	stream.linear.gather [hbm4b:s0+s4], $0x50, $0x38;
	[tilespmem:$0x19200] =	vst v63  }
0x45: {  	p0 =	sne.s32 s31, $0x4C4;
	_ =	swait.ge [sflag:s17], $0x50  }
0x46: {  	[sflag:s17] =	ssyncset.done $0x0  }
0x47: {  	s0 =	sadd.s32 s29, s14;
	s29 =	smov.u32 s2;
	[sflag:s17] =	ssyncadd.s32 $0xFFFFFFB0  }
0x48: {  	[tilespmem:s22], [sflag:$0x3] =	stream.linear.gather [hbm4b:s0+s4], $0x50, $0x38;
	[tilespmem:$0x19200] =	vst v63  }
0x49: {  	_ =	swait.ge [sflag:s17], $0x50  }
0x4a: {  	[sflag:s17] =	ssyncset.done $0x0  }
0x4b: {  	[sflag:s17] =	ssyncadd.s32 $0xFFFFFFB0  }
0x4c: {  	[tilespmem:s23], [sflag:$0x2] =	stream.indirect.gather [hbm4b:s1+s19], $0x80, s21, s19, $0xb8;
	[tilespmem:$0x19200] =	vst v63  }
0x4d: {  	_ =	swait.ge [sflag:s24], $0x2800  }
0x4e: {  	[sflag:s24] =	ssyncset.done $0x0  }
0x4f: {  	[sflag:s24] =	ssyncadd.s32 $0xFFFFD800  }
0x50: {  	[spmem:s3] =	stream.indirect.scatter.add.f32 [tilespmem:s20], [sflag:$0x3], $0x80, s18, s19, $0xb8;
	[tilespmem:$0x19200] =	vst v63  }
0x51: {  	_ =	swait.ge [sflag:s17], $0x2800  }
0x52: {  	s0 =	sshrl.u32 s28, $0x3;
	[sflag:s17] =	ssyncset.done $0x0  }
0x53: {  	s2 =	sadd.s32 s5, s0;
	[sflag:s17] =	ssyncadd.s32 $0xFFFFD800  }
0x54: {  	[tilespmem:s4], [sflag:$0x3] =	stream.linear.gather [hbm4b:s2+s4], $0x50, $0x38;
	[tilespmem:$0x19200] =	vst v63  }
0x55: {  	_ =	swait.ge [sflag:s17], $0x50  }
0x56: {  	[sflag:s17] =	ssyncset.done $0x0  }
0x57: {  	s0 =	sadd.s32 s6, s0;
	[sflag:s17] =	ssyncadd.s32 $0xFFFFFFB0  }
0x58: {  	[tilespmem:s18], [sflag:$0x3] =	stream.linear.gather [hbm4b:s0+s4], $0x50, $0x38;
	[tilespmem:$0x19200] =	vst v63  }
0x59: {  	_ =	swait.ge [sflag:s17], $0x50  }
0x5a: {  	[sflag:s17] =	ssyncset.done $0x0  }
0x5b: {  	[sflag:s17] =	ssyncadd.s32 $0xFFFFFFB0  }
0x5c: {  	[tilespmem:s20], [sflag:$0x1] =	stream.indirect.gather [hbm4b:s1+s19], $0x80, s4, s19, $0xb8;
	[tilespmem:$0x19200] =	vst v63  }
0x5d: {  	_ =	swait.ge [sflag:s25], $0x2800  }
.Ltmp0:
0x5e: {  	[sflag:s25] =	ssyncset.done $0x0;
	(pc) =	sbr.rel @p0 .LBB2_2-.Ltmp0, $4  }
0x5f: {  	[sflag:s25] =	ssyncadd.s32 $0xFFFFD800  }
0x60: {  	[spmem:s3] =	stream.indirect.scatter.add.f32 [tilespmem:s23], [sflag:$0x3], $0x80, s22, s19, $0xb8;
	[tilespmem:$0x19200] =	vst v63  }
0x61: {  	_ =	swait.ge [sflag:s17], $0x2800  }
0x62: {  	s31 =	smov.u32 s30;
	s28 =	sadd.s32 $0xA0, s28;
	[sflag:s17] =	ssyncset.done $0x0  }
0x63: {  	s0 =	sadd.s32 s29, s15;
	[sflag:s17] =	ssyncadd.s32 $0xFFFFD800  }
0x64: {  	[tilespmem:s21], [sflag:$0x3] =	stream.linear.gather [hbm4b:s0+s4], $0x50, $0x38;
	[tilespmem:$0x19200] =	vst v63  }
0x65: {  	_ =	swait.ge [sflag:s17], $0x50  }
0x66: {  	[sflag:s17] =	ssyncset.done $0x0  }
0x67: {  	s30 =	sadd.s32 s29, s14;
	[sflag:s17] =	ssyncadd.s32 $0xFFFFFFB0  }
0x68: {  	[tilespmem:s22], [sflag:$0x3] =	stream.linear.gather [hbm4b:s30+s4], $0x50, $0x38;
	[tilespmem:$0x19200] =	vst v63  }
0x69: {  	_ =	swait.ge [sflag:s17], $0x50  }
0x6a: {  	[sflag:s17] =	ssyncset.done $0x0  }
0x6b: {  	[sflag:s17] =	ssyncadd.s32 $0xFFFFFFB0  }
0x6c: {  	[tilespmem:s23], [sflag:$0x2] =	stream.indirect.gather [hbm4b:s1+s19], $0x80, s21, s19, $0xb8;
	[tilespmem:$0x19200] =	vst v63  }
0x6d: {  	_ =	swait.ge [sflag:s24], $0x2800  }
0x6e: {  	[sflag:s24] =	ssyncset.done $0x0  }
0x6f: {  	[sflag:s24] =	ssyncadd.s32 $0xFFFFD800  }
0x70: {  	[spmem:s3] =	stream.indirect.scatter.add.f32 [tilespmem:s20], [sflag:$0x3], $0x80, s18, s19, $0xb8;
	[tilespmem:$0x19200] =	vst v63  }
0x71: {  	_ =	swait.ge [sflag:s17], $0x2800  }
0x72: {  	s31 =	sshrl.u32 s28, $0x3;
	[sflag:s17] =	ssyncset.done $0x0  }
0x73: {  	s2 =	sadd.s32 s5, s31;
	[sflag:s17] =	ssyncadd.s32 $0xFFFFD800  }
0x74: {  	[tilespmem:s4], [sflag:$0x3] =	stream.linear.gather [hbm4b:s2+s4], $0x50, $0x38;
	[tilespmem:$0x19200] =	vst v63  }
0x75: {  	_ =	swait.ge [sflag:s17], $0x50  }
0x76: {  	[sflag:s17] =	ssyncset.done $0x0  }
0x77: {  	s0 =	sadd.s32 s6, s31;
	[sflag:s17] =	ssyncadd.s32 $0xFFFFFFB0  }
0x78: {  	[tilespmem:s18], [sflag:$0x3] =	stream.linear.gather [hbm4b:s0+s4], $0x50, $0x38;
	[tilespmem:$0x19200] =	vst v63  }
0x79: {  	_ =	swait.ge [sflag:s17], $0x50  }
0x7a: {  	[sflag:s17] =	ssyncset.done $0x0  }
0x7b: {  	[sflag:s17] =	ssyncadd.s32 $0xFFFFFFB0  }
0x7c: {  	[tilespmem:s20], [sflag:$0x1] =	stream.indirect.gather [hbm4b:s1+s19], $0x80, s4, s19, $0xb8;
	[tilespmem:$0x19200] =	vst v63  }
0x7d: {  	_ =	swait.ge [sflag:s25], $0x2800  }
0x7e: {  	[sflag:s25] =	ssyncset.done $0x0  }
0x7f: {  	[sflag:s25] =	ssyncadd.s32 $0xFFFFD800  }
0x80: {  	[spmem:s3] =	stream.indirect.scatter.add.f32 [tilespmem:s23], [sflag:$0x3], $0x80, s22, s19, $0xb8;
	[tilespmem:$0x19200] =	vst v63  }
0x81: {  	_ =	swait.ge [sflag:s17], $0x2800  }
0x82: {  	[sflag:s17] =	ssyncset.done $0x0  }
0x83: {  	[sflag:s17] =	ssyncadd.s32 $0xFFFFD800  }
0x84: {  	_ =	swait.ge [sflag:s24], $0x2800  }
0x85: {  	[sflag:s24] =	ssyncset.done $0x0  }
0x86: {  	[sflag:s24] =	ssyncadd.s32 $0xFFFFD800  }
0x87: {  	[spmem:s3] =	stream.indirect.scatter.add.f32 [tilespmem:s20], [sflag:$0x3], $0x80, s18, s19, $0xb8;
	[tilespmem:$0x19200] =	vst v63  }
0x88: {  	_ =	swait.ge [sflag:s17], $0x2800  }
0x89: {  	s26 =	sadd.s32 $0x1, s26;
	[sflag:s17] =	ssyncset.done $0x0  }
0x8a: {  	p0 =	sne.s32 s26, s12;
	[sflag:s17] =	ssyncadd.s32 $0xFFFFD800  }
.Ltmp1:
0x8b: {  	[bflag:$0x0] =	sbarrier.arrive $0xFFFF;
	(pc) =	sbr.rel @p0 .LBB2_1-.Ltmp1, $4  }
0x8c: {  	[hbm:s11], [sflag:s8] =	dma.local [spmem:s16], $0x2800  }
0x8d: {  	_ =	swait.ge [sflag:s17], $0x2800  }
0x8e: {  	[sflag:s17] =	ssyncset.done $0x0  }
0x8f: {  	[sflag:s17] =	ssyncadd.s32 $0xFFFFD800  }
0x90: {  	_ =	sfence.sel $0x180000  }
0x91: {  	[bflag:$0x0] =	sbarrier.arrive $0xFFFF  }
0x92: {  	_ =	strace $0x9000004A  }
0x93: {  	s0 =	stileid.u32;
	[bflag:$0x2] =	sbarrier.arrive $0xFFFF  }
0x94: {  	p0 =	sne.s32 s0, $0x0;
	s0 =	rddreg [dreg:$0x3]  }
0x95: {  	s0 =	sadd.s32 @!p0 $0x100000, s0  }
0x96: {  	[sflag:s0] =	ssyncadd.tile.s32 @!p0 $0x1;
	_ =	shalt  }
.Lfunc_end2:
_tile_overlayer_lowered:
.L_overlay_start_2:
0x97: {  	(tag) =	ssettag $0x2  }
0x98: {  	s0 =	rddreg [dreg:$0x0];
	s2 =	stileid.u32  }
0x99: {  	s1 =	rddreg [dreg:$0x1];
	p0 =	sne.s32 s2, $0x0  }
0x9a: {  	s3 =	rddreg [dreg:$0x2];
	[bflag:$0x3] =	sbarrier.arrive $0xFFFF;
	s2 =	simm.s32 @!p0 $0x1C03  }
0x9b: {  	[timem:s3], [sflag:s2] =	dma.local @!p0 [hbm:s0], s1  }
0x9c: {  	s0 =	simm.s32 @!p0 $0x3  }
0x9d: {  	_ =	swait.ge @!p0 [sflag:s0], s1  }
0x9e: {  	s1 =	ssub.s32 @!p0 $0x0, s1;
	[sflag:s0] =	ssyncset.done @!p0 $0x0  }
0x9f: {  	[sflag:s0] =	ssyncadd.s32 @!p0 s1  }
0xa0: {  	[bflag:$0x3] =	sbarrier.arrive $0xFFFF  }
0xa1: {  	_ =	shalt  }

// kernel: kernel.14.cloned.1.call-start
scs
__scs_entry_jumppad:
0x0: {  	(pc) =	sbr.rel $0x88, $3  }
0x1: {  	(tag) =	ssettag $0x0;
	lr =	simm.s32 $0x1  }
0x2: {  	[smem:$0x3F9B] =	sst lr;
	_ =	strace $0xD0000000  }
0x3: {  	_ = 	snop  }
0x4: {  	_ = 	snop  }
0x5: {  	_ = 	snop  }
0x6: {  	_ = 	snop  }
0x7: {  	_ = 	snop  }
__scs_overlays_trampoline_lowered:
0x8: {  	[smem:$0x3FAA] =	sst s0  }
0x9: {  	[smem:$0x3FAB] =	sst s1  }
0xa: {  	[smem:$0x3FAC] =	sst s2  }
0xb: {  	[smem:$0x3FAD] =	sst s3  }
0xc: {  	[smem:$0x3FAE] =	sst s4  }
0xd: {  	[smem:$0x3FAF] =	sst s5  }
0xe: {  	[smem:$0x3FB0] =	sst s6  }
0xf: {  	[smem:$0x3FB1] =	sst s7  }
0x10: {  	[smem:$0x3FB2] =	sst s8  }
0x11: {  	[smem:$0x3FB3] =	sst s9;
	s0 =	simm.s32 @!p0 $0x0  }
0x12: {  	s1 =	sld [smem:$0x3F99];
	s0 =	simm.s32 @p0 $0x1  }
0x13: {  	[smem:$0x3FB4] =	sst s0;
	s0 =	simm.s32 @!p1 $0x0  }
0x14: {  	s2 =	sld [smem:$0x3F98];
	s0 =	simm.s32 @p1 $0x1  }
0x15: {  	[smem:$0x3FB5] =	sst s0;
	s0 =	simm.s32 @!p2 $0x0  }
0x16: {  	s3 =	sld [smem:$0x3FDB];
	s0 =	simm.s32 @p2 $0x1  }
0x17: {  	s4 =	simm.s32 $0x1BF5;
	[smem:$0x3FB7] =	sst s0  }
0x18: {  	s0 =	sld [smem:$0x3F9A];
	_ =	swait.ge [sflag:s4], $0x0  }
0x19: {  	s7 =	sld [smem:$0x3F9B]  }
0x1a: {  	s8 =	sadd.s32 $0xFFFFE003, lr  }
0x1b: {  	s9 =	sadd.s32 $0xFFFFFEF7, lr;
	s5 =	simm.s32 $0xFFFFFFFF;
	p2 =	slt.u32 s8, $0xFFFFF086  }
0x1c: {  	p1 =	slt.u32 s9, $0xF7A;
	s5 =	simm.s32 @!p2 $0x0  }
0x1d: {  	s5 =	simm.s32 @p1 $0x1;
	p0 =	seq.s32 s7, s2  }
0x1e: {  	s7 =	smul.u32 @!p0 $0xF7A, s2;
	p2 =	seq.s32 @!p0 s5, $0x0  }
0x1f: {  	s9 =	smul.u32 $0xF7A, s1;
	s8 =	simm.s32 @!p0 $0x1BF5;
	p2 =	por !p2, p0  }
0x20: {  	[sflag:s8] =	ssyncset.s32 @!p0 $0xFFFFF086;
	s6 =	sadd.s32 @!p0 s3, s7;
	s7 =	simm.s32 @!p0 $0x108  }
0x21: {  	s3 =	sadd.s32 s3, s9;
	s6 =	sadd.s32 @!p0 $0x88, s6;
	s7 =	simm.s32 @p2 $0x1082  }
0x22: {  	[simem:s7], [sflag:s8] =	dma.local @!p0 [hbm:s6], $0xF7A  }
0x23: {  	s9 =	sor.u32 $0xD0000000, s2;
	s6 =	simm.s32 $0x108;
	_ =	swait.ge @!p0 [sflag:s8], $0x0  }
0x24: {  	s3 =	sadd.s32 $0x88, s3;
	s6 =	simm.s32 @!p1 $0x1082;
	[sflag:s4] =	ssyncset.s32 $0xFFFFF086  }
0x25: {  	[simem:s6], [sflag:s4] =	dma.local [hbm:s3], $0xF7A  }
0x26: {  	[smem:$0x3F9B] =	sst s1;
	(tag) =	ssettag s2;
	_ =	strace s9  }
0x27: {  	s1 =	sld [smem:$0x3FAB]  }
0x28: {  	s2 =	sld [smem:$0x3FAC]  }
0x29: {  	s4 =	sld [smem:$0x3FAE]  }
0x2a: {  	p0 =	seq.s32 s5, $0x0;
	s5 =	sld [smem:$0x3FAF]  }
0x2b: {  	s6 =	sld [smem:$0x3FB0]  }
0x2c: {  	s7 =	sld [smem:$0x3FB1]  }
0x2d: {  	s3 =	simm.s32 $0x108;
	s8 =	sld [smem:$0x3FB2]  }
0x2e: {  	s3 =	simm.s32 @!p0 $0x1082;
	s9 =	sld [smem:$0x3FB3]  }
0x2f: {  	lr =	sadd.s32 s0, s3;
	s0 =	sld [smem:$0x3FAA]  }
0x30: {  	s3 =	sld [smem:$0x3FAD]  }
0x31: {  	[smem:$0x3FB6] =	sst s10  }
0x32: {  	s10 =	sld [smem:$0x3FB4];
	_ =	sdelay $0x3  }
0x33: {  	p0 =	seq.s32 s10, $0x1;
	s10 =	sld [smem:$0x3FB6];
	_ =	sdelay $0x3  }
0x34: {  	[smem:$0x3FB6] =	sst s10  }
0x35: {  	s10 =	sld [smem:$0x3FB5];
	_ =	sdelay $0x3  }
0x36: {  	p1 =	seq.s32 s10, $0x1;
	s10 =	sld [smem:$0x3FB6];
	_ =	sdelay $0x3  }
0x37: {  	[smem:$0x3FB6] =	sst s10  }
0x38: {  	s10 =	sld [smem:$0x3FB7]  }
0x39: {  	_ = 	snop;
	(pc) =	sbr.ind lr, $3  }
0x3a: {  	_ = 	snop  }
0x3b: {  	_ = 	snop  }
0x3c: {  	p2 =	seq.s32 s10, $0x1;
	s10 =	sld [smem:$0x3FB6]  }
0x3d: {  	_ =	shalt  }
0x3e: {  	_ =	shalt  }
0x3f: {  	_ =	shalt  }
0x40: {  	_ =	shalt  }
0x41: {  	_ =	shalt  }
0x42: {  	_ =	shalt  }
0x43: {  	_ =	shalt  }
0x44: {  	_ =	shalt  }
0x45: {  	_ =	shalt  }
0x46: {  	_ =	shalt  }
0x47: {  	_ =	shalt  }
0x48: {  	_ =	shalt  }
0x49: {  	_ =	shalt  }
0x4a: {  	_ =	shalt  }
0x4b: {  	_ =	shalt  }
0x4c: {  	_ =	shalt  }
0x4d: {  	_ =	shalt  }
0x4e: {  	_ =	shalt  }
0x4f: {  	_ =	shalt  }
0x50: {  	_ =	shalt  }
0x51: {  	_ =	shalt  }
0x52: {  	_ =	shalt  }
0x53: {  	_ =	shalt  }
0x54: {  	_ =	shalt  }
0x55: {  	_ =	shalt  }
0x56: {  	_ =	shalt  }
0x57: {  	_ =	shalt  }
0x58: {  	_ =	shalt  }
0x59: {  	_ =	shalt  }
0x5a: {  	_ =	shalt  }
0x5b: {  	_ =	shalt  }
0x5c: {  	_ =	shalt  }
0x5d: {  	_ =	shalt  }
0x5e: {  	_ =	shalt  }
0x5f: {  	_ =	shalt  }
0x60: {  	_ =	shalt  }
0x61: {  	_ =	shalt  }
0x62: {  	_ =	shalt  }
0x63: {  	_ =	shalt  }
0x64: {  	_ =	shalt  }
0x65: {  	_ =	shalt  }
0x66: {  	_ =	shalt  }
0x67: {  	_ =	shalt  }
0x68: {  	_ =	shalt  }
0x69: {  	_ =	shalt  }
0x6a: {  	_ =	shalt  }
0x6b: {  	_ =	shalt  }
0x6c: {  	_ =	shalt  }
0x6d: {  	_ =	shalt  }
0x6e: {  	_ =	shalt  }
0x6f: {  	_ =	shalt  }
0x70: {  	_ =	shalt  }
0x71: {  	_ =	shalt  }
0x72: {  	_ =	shalt  }
0x73: {  	_ =	shalt  }
0x74: {  	_ =	shalt  }
0x75: {  	_ =	shalt  }
0x76: {  	_ =	shalt  }
0x77: {  	_ =	shalt  }
0x78: {  	_ =	shalt  }
0x79: {  	_ =	shalt  }
0x7a: {  	_ =	shalt  }
0x7b: {  	_ =	shalt  }
0x7c: {  	_ =	shalt  }
0x7d: {  	_ =	shalt  }
0x7e: {  	_ =	shalt  }
0x7f: {  	_ =	shalt  }
0x80: {  	_ =	shalt  }
0x81: {  	_ =	shalt  }
0x82: {  	_ =	shalt  }
0x83: {  	_ =	shalt  }
0x84: {  	_ =	shalt  }
0x85: {  	_ =	shalt  }
0x86: {  	_ =	shalt  }
0x87: {  	_ =	shalt  }
.Lfunc_end0:
.L_simem_size_0:
called_computation.2_lowered:
.L_overlay_start_0:
0x88: {  	s2 =	sld [smem:$0x3FD9]  }
0x89: {  	s3 =	sld [smem:$0x3FFE];
	_ =	sdelay $0x1  }
0x8a: {  	s1 =	srdreg.scid  }
0x8b: {  	s0 =	sand.u32 $0x1, s1  }
0x8c: {  	s17 =	sshll.u32 s0, $0xA;
	s2 =	sadd.s32 s3, s2  }
0x8d: {  	s2 =	sadd.s32 s2, s17  }
0x8e: {  	[smem:$0x3FC2] =	sst s2  }
0x8f: {  	_ = 	snop  }
0x90: {  	s2 =	sld [smem:$0x3FD0];
	(tm) =	ssettm $0x1  }
0x91: {  	s18 =	sld [smem:$0x3FFB];
	_ =	sdelay $0x3  }
0x92: {  	_ =	strace s18  }
0x93: {  	s3 =	sld [smem:$0x3FFC];
	_ =	sdelay $0x3  }
0x94: {  	_ =	strace s3  }
0x95: {  	s3 =	sld [smem:$0x3FFD];
	_ =	sdelay $0x3  }
0x96: {  	_ =	strace s3  }
0x97: {  	_ =	strace $0x8FFFFFFF  }
0x98: {  	s19 =	sld [smem:$0x3FDB];
	_ =	sdelay $0x1  }
0x99: {  	s4 =	simm.s32 $_scs_section_size  }
0x9a: {  	s5 =	simm.s32 $_size__tile_overlayer_lowered;
	s6 =	simm.s32 $_tile_overlayer_lowered  }
0x9b: {  	s22 =	simm.s32 $0x1BFF;
	s21 =	sshll.u32 s6, $0x1;
	s3 =	sadd.s32 s4, s19  }
0x9c: {  	s7 =	simm.s32 $0x0;
	s20 =	sshll.u32 s5, $0x1;
	s5 =	sadd.s32 s21, s3  }
0x9d: {  	[timem:s7], [sflag:s22] =	dma.local [hbm:s5], s20  }
0x9e: {  	_ =	swait.ge [sflag:s22], s20  }
0x9f: {  	s4 =	ssub.s32 $0x0, s20;
	[sflag:s22] =	ssyncset.done $0x0  }
0xa0: {  	[sflag:s22] =	ssyncadd.s32 s4;
	_ =	sdelay $0x1  }
0xa1: {  	s23 =	simm.s32 $0x1B8B  }
0xa2: {  	_ =	swait.ge [sflag:s23], $0x1  }
0xa3: {  	[sflag:s23] =	ssyncset.done $0x0  }
0xa4: {  	s25 =	simm.s32 $0x1B8E;
	s24 =	sld [smem:$0x3FFE];
	[sflag:s23] =	ssyncadd.s32 $0xFFFFFFFF  }
0xa5: {  	s26 =	simm.s32 $execute0_lowered;
	[smem:$0x3FD2] =	sst s25  }
0xa6: {  	s5 =	sshll.u32 s26, $0x1;
	_ =	strace $0x8000004C;
	[dreg:$0x1] =	wrdreg $0xFFFFFFFF  }
0xa7: {  	s28 =	simm.s32 $_size_execute0_lowered;
	s3 =	sadd.s32 s3, s5;
	[dreg:$0x0] =	wrdreg $0x0  }
0xa8: {  	s5 =	sshll.u32 s28, $0x1;
	[dreg:$0x2] =	wrdreg s3  }
0xa9: {  	[dreg:$0x3] =	wrdreg s5  }
0xaa: {  	[dreg:$0x4] =	wrdreg $0xC0  }
0xab: {  	_ =	task [dreg:s7], $0x5FFFF  }
0xac: {  	[dreg:$0x1] =	wrdreg $0xFFFFFFFF  }
0xad: {  	[dreg:$0x0] =	wrdreg $0x60  }
0xae: {  	[dreg:$0x2] =	wrdreg s2  }
0xaf: {  	[dreg:$0x3] =	wrdreg s24  }
0xb0: {  	[dreg:$0x4] =	wrdreg $0x52000  }
0xb1: {  	[dreg:$0x5] =	wrdreg $0x9  }
0xb2: {  	_ =	task.clear_ibuf [dreg:s7], $0x6FFFF;
	_ =	strace $0x9000004C  }
0xb3: {  	s29 =	simm.s32 $0x9;
	_ =	strace $0x8000004E  }
0xb4: {  	_ =	swait.ge [sflag:s29], $0x1  }
0xb5: {  	[sflag:s29] =	ssyncadd.s32 $0xFFFFFFFF  }
0xb6: {  	_ =	strace $0x9000004E  }
0xb7: {  	_ =	sfence  }
0xb8: {  	s30 =	sld [smem:$0x0];
	_ =	sdelay $0x2  }
0xb9: {  	s31 =	sshll.u32 s1, $0xD;
	s1 =	sshrl.u32 s1, $0x2  }
0xba: {  	s3 =	sand.u32 $0x4000, s31;
	s1 =	sadd.s32 s1, s30  }
0xbb: {  	s0 =	sor.u32 s3, s0;
	s1 =	sshll.u32 s1, $0x11  }
0xbc: {  	s0 =	sor.u32 s1, s0  }
0xbd: {  	s0 =	sadd.s32 $0x8F2B, s0  }
0xbe: {  	[sflag:s0] =	ssyncadd.remote.s32 $0x1  }
0xbf: {  	_ =	sfence.sel $0xFFFF  }
0xc0: {  	[dreg:$0x0] =	wrdreg $0xFFFFFFFF;
	(pc) =	sbr.abs _section_cstart, $3  }
0xc1: {  	[dreg:$0x1] =	wrdreg $0xFFFFFFFF  }
0xc2: {  	_ =	task.clear_ibuf [dreg:s7], $0x2FFFF;
	_ =	strace $0x9FFFFFFF  }
0xc3: {  	(tm) =	ssettm $0x7FFFFFFF  }
tec
execute0_lowered:
.L_overlay_start_1:
0x0: {  	(tag) =	ssettag $0x1  }
0x1: {  	s1 =	rddreg [dreg:$0x0]  }
0x2: {  	s7 =	rddreg [dreg:$0x1]  }
0x3: {  	s3 =	rddreg [dreg:$0x2]  }
0x4: {  	s4 =	simm.s32 $0x0;
	s0 =	stileid.u32;
	s5 =	srdreg.scid  }
0x5: {  	s18 =	simm.s32 $0x80;
	s19 =	simm.s32 $0x50;
	s20 =	simm.s32 $0x200  }
0x6: {  	s21 =	simm.s32 $0x100;
	s22 =	simm.s32 $0x180;
	s8 =	smul.u32 $0x14000, s0  }
0x7: {  	[smem:$0x7FF] =	sst s4;
	s9 =	sand.u32 $0x1, s5;
	s25 =	smul.u32 $0x50000, s0  }
0x8: {  	s5 =	sadd.s32 $0x83C00, s7;
	s6 =	sadd.s32 $0x79E00, s7;
	s14 =	smul.u32 $0x2710, s0  }
0x9: {  	s30 =	sshll.u32 s0, $0x6;
	_ =	strace $0x8000004D;
	s10 =	smul.u32 $0x140000, s9  }
0xa: {  	s11 =	sshll.u32 s9, $0x4;
	s26 =	ssub.s32 $0x2, s9;
	s28 =	smul.u32 $0x27100, s9  }
0xb: {  	s11 =	sor.u32 s0, s11;
	s12 =	sshrl.u32 s8, $0x3;
	s29 =	sshrl.u32 s26, $0x1  }
0xc: {  	s8 =	sadd.s32 s8, s10;
	s23 =	smul.u32 $0x2710, s11;
	s24 =	sadd.s32 s12, s7  }
0xd: {  	s12 =	sshrl.u32 s25, $0x2;
	s15 =	ssub.s32 s26, s29;
	s14 =	sadd.s32 s14, s28  }
0xe: {  	s25 =	simm.s32 $0x2;
	s26 =	simm.s32 $0x0;
	s8 =	sshrl.u32 s8, $0x3  }
0xf: {  	s16 =	sadd.s32 s12, s3;
	s31 =	sadd.s32 $0x50, s14;
	s12 =	smax.u32 s15, $0x1  }
0x10: {  	s13 =	sadd.s32 s8, s7;
	s7 =	sadd.s32 $0x1E00, s24;
	s10 =	sshrl.u32 s23, $0x3  }
0x11: {  	s8 =	sor.u32 $0x1C03, s30;
	s17 =	sshrl.u32 s31, $0x3;
	s16 =	sshrl.u32 s16, $0x3  }
0x12: {  	s23 =	simm.s32 $0x2A00;
	s24 =	simm.s32 $0x1;
	s9 =	sadd.s32 s5, s10  }
0x13: {  	s10 =	sadd.s32 s6, s10;
	s11 =	sadd.s32 $0x29E00, s13;
	s13 =	sadd.s32 $0xA0, s14  }
0x14: {  	s14 =	sadd.s32 s17, s6;
	s15 =	sadd.s32 s17, s5;
	s17 =	simm.s32 $0x3  }
.LBB2_1:
0x15: {  	[spmem:s16], [sflag:s8] =	dma.local [hbm:s7], $0x2800  }
0x16: {  	_ =	swait.ge [sflag:s17], $0x2800  }
0x17: {  	[sflag:s17] =	ssyncset.done $0x0  }
0x18: {  	[sflag:s17] =	ssyncadd.s32 $0xFFFFD800  }
0x19: {  	[tilespmem:s4], [sflag:$0x3] =	stream.linear.gather [hbm4b:s9+s4], $0x50, $0x38;
	[tilespmem:$0x19200] =	vst v63  }
0x1a: {  	_ =	swait.ge [sflag:s17], $0x50  }
0x1b: {  	[sflag:s17] =	ssyncset.done $0x0  }
0x1c: {  	[sflag:s17] =	ssyncadd.s32 $0xFFFFFFB0  }
0x1d: {  	[tilespmem:s18], [sflag:$0x3] =	stream.linear.gather [hbm4b:s10+s4], $0x50, $0x38;
	[tilespmem:$0x19200] =	vst v63  }
0x1e: {  	_ =	swait.ge [sflag:s17], $0x50  }
0x1f: {  	[sflag:s17] =	ssyncset.done $0x0  }
0x20: {  	[sflag:s17] =	ssyncadd.s32 $0xFFFFFFB0  }
0x21: {  	[tilespmem:s20], [sflag:$0x1] =	stream.indirect.gather [hbm4b:s1+s19], $0x80, s4, s19, $0xb8;
	[tilespmem:$0x19200] =	vst v63  }
0x22: {  	s28 =	sadd.s32 $0x0, s15;
	[bflag:$0x0] =	sbarrier.arrive $0xFFFF  }
0x23: {  	[tilespmem:s21], [sflag:$0x3] =	stream.linear.gather [hbm4b:s28+s4], $0x50, $0x38;
	[tilespmem:$0x19200] =	vst v63  }
0x24: {  	_ =	swait.ge [sflag:s17], $0x50  }
0x25: {  	[sflag:s17] =	ssyncset.done $0x0  }
0x26: {  	s28 =	sadd.s32 $0x0, s14;
	[sflag:s17] =	ssyncadd.s32 $0xFFFFFFB0  }
0x27: {  	[tilespmem:s22], [sflag:$0x3] =	stream.linear.gather [hbm4b:s28+s4], $0x50, $0x38;
	[tilespmem:$0x19200] =	vst v63  }
0x28: {  	_ =	swait.ge [sflag:s17], $0x50  }
0x29: {  	[sflag:s17] =	ssyncset.done $0x0  }
0x2a: {  	[sflag:s17] =	ssyncadd.s32 $0xFFFFFFB0  }
0x2b: {  	[tilespmem:s23], [sflag:$0x2] =	stream.indirect.gather [hbm4b:s1+s19], $0x80, s21, s19, $0xb8;
	[tilespmem:$0x19200] =	vst v63  }
0x2c: {  	_ =	swait.ge [sflag:s24], $0x2800  }
0x2d: {  	[sflag:s24] =	ssyncset.done $0x0  }
0x2e: {  	[sflag:s24] =	ssyncadd.s32 $0xFFFFD800  }
0x2f: {  	[spmem:s3] =	stream.indirect.scatter.add.f32 [tilespmem:s20], [sflag:$0x3], $0x80, s18, s19, $0xb8;
	[tilespmem:$0x19200] =	vst v63  }
0x30: {  	_ =	swait.ge [sflag:s17], $0x2800  }
0x31: {  	s28 =	sshrl.u32 s13, $0x3;
	[sflag:s17] =	ssyncset.done $0x0  }
0x32: {  	s29 =	sadd.s32 s5, s28;
	[sflag:s17] =	ssyncadd.s32 $0xFFFFD800  }
0x33: {  	[tilespmem:s4], [sflag:$0x3] =	stream.linear.gather [hbm4b:s29+s4], $0x50, $0x38;
	[tilespmem:$0x19200] =	vst v63  }
0x34: {  	_ =	swait.ge [sflag:s17], $0x50  }
0x35: {  	[sflag:s17] =	ssyncset.done $0x0  }
0x36: {  	s28 =	sadd.s32 s6, s28;
	[sflag:s17] =	ssyncadd.s32 $0xFFFFFFB0  }
0x37: {  	[tilespmem:s18], [sflag:$0x3] =	stream.linear.gather [hbm4b:s28+s4], $0x50, $0x38;
	[tilespmem:$0x19200] =	vst v63  }
0x38: {  	_ =	swait.ge [sflag:s17], $0x50  }
0x39: {  	[sflag:s17] =	ssyncset.done $0x0  }
0x3a: {  	[sflag:s17] =	ssyncadd.s32 $0xFFFFFFB0  }
0x3b: {  	[tilespmem:s20], [sflag:$0x1] =	stream.indirect.gather [hbm4b:s1+s19], $0x80, s4, s19, $0xb8;
	[tilespmem:$0x19200] =	vst v63  }
0x3c: {  	_ =	swait.ge [sflag:s25], $0x2800  }
0x3d: {  	[sflag:s25] =	ssyncset.done $0x0  }
0x3e: {  	[sflag:s25] =	ssyncadd.s32 $0xFFFFD800  }
0x3f: {  	[spmem:s3] =	stream.indirect.scatter.add.f32 [tilespmem:s23], [sflag:$0x3], $0x80, s22, s19, $0xb8;
	[tilespmem:$0x19200] =	vst v63  }
0x40: {  	s31 =	simm.s32 $0x28;
	_ =	swait.ge [sflag:s17], $0x2800  }
0x41: {  	s29 =	simm.s32 $0x14;
	s28 =	sadd.s32 $0xA0, s13;
	[sflag:s17] =	ssyncset.done $0x0  }
.LBB2_2:
0x42: {  	s0 =	sadd.s32 s29, s15  }
0x43: {  	[sflag:s17] =	ssyncadd.s32 $0xFFFFD800;
	s2 =	smov.u32 s31;
	s30 =	sadd.s32 $0x14, s31  }
0x44: {  	[tilespmem:s21], [sflag:$0x3] =	stream.linear.gather [hbm4b:s0+s4], $0x50, $0x38;
	[tilespmem:$0x19200] =	vst v63  }
0x45: {  	p0 =	sne.s32 s31, $0x4C4;
	_ =	swait.ge [sflag:s17], $0x50  }
0x46: {  	[sflag:s17] =	ssyncset.done $0x0  }
0x47: {  	s0 =	sadd.s32 s29, s14;
	s29 =	smov.u32 s2;
	[sflag:s17] =	ssyncadd.s32 $0xFFFFFFB0  }
0x48: {  	[tilespmem:s22], [sflag:$0x3] =	stream.linear.gather [hbm4b:s0+s4], $0x50, $0x38;
	[tilespmem:$0x19200] =	vst v63  }
0x49: {  	_ =	swait.ge [sflag:s17], $0x50  }
0x4a: {  	[sflag:s17] =	ssyncset.done $0x0  }
0x4b: {  	[sflag:s17] =	ssyncadd.s32 $0xFFFFFFB0  }
0x4c: {  	[tilespmem:s23], [sflag:$0x2] =	stream.indirect.gather [hbm4b:s1+s19], $0x80, s21, s19, $0xb8;
	[tilespmem:$0x19200] =	vst v63  }
0x4d: {  	_ =	swait.ge [sflag:s24], $0x2800  }
0x4e: {  	[sflag:s24] =	ssyncset.done $0x0  }
0x4f: {  	[sflag:s24] =	ssyncadd.s32 $0xFFFFD800  }
0x50: {  	[spmem:s3] =	stream.indirect.scatter.add.f32 [tilespmem:s20], [sflag:$0x3], $0x80, s18, s19, $0xb8;
	[tilespmem:$0x19200] =	vst v63  }
0x51: {  	_ =	swait.ge [sflag:s17], $0x2800  }
0x52: {  	s0 =	sshrl.u32 s28, $0x3;
	[sflag:s17] =	ssyncset.done $0x0  }
0x53: {  	s2 =	sadd.s32 s5, s0;
	[sflag:s17] =	ssyncadd.s32 $0xFFFFD800  }
0x54: {  	[tilespmem:s4], [sflag:$0x3] =	stream.linear.gather [hbm4b:s2+s4], $0x50, $0x38;
	[tilespmem:$0x19200] =	vst v63  }
0x55: {  	_ =	swait.ge [sflag:s17], $0x50  }
0x56: {  	[sflag:s17] =	ssyncset.done $0x0  }
0x57: {  	s0 =	sadd.s32 s6, s0;
	[sflag:s17] =	ssyncadd.s32 $0xFFFFFFB0  }
0x58: {  	[tilespmem:s18], [sflag:$0x3] =	stream.linear.gather [hbm4b:s0+s4], $0x50, $0x38;
	[tilespmem:$0x19200] =	vst v63  }
0x59: {  	_ =	swait.ge [sflag:s17], $0x50  }
0x5a: {  	[sflag:s17] =	ssyncset.done $0x0  }
0x5b: {  	[sflag:s17] =	ssyncadd.s32 $0xFFFFFFB0  }
0x5c: {  	[tilespmem:s20], [sflag:$0x1] =	stream.indirect.gather [hbm4b:s1+s19], $0x80, s4, s19, $0xb8;
	[tilespmem:$0x19200] =	vst v63  }
0x5d: {  	_ =	swait.ge [sflag:s25], $0x2800  }
.Ltmp0:
0x5e: {  	[sflag:s25] =	ssyncset.done $0x0;
	(pc) =	sbr.rel @p0 .LBB2_2-.Ltmp0, $4  }
0x5f: {  	[sflag:s25] =	ssyncadd.s32 $0xFFFFD800  }
0x60: {  	[spmem:s3] =	stream.indirect.scatter.add.f32 [tilespmem:s23], [sflag:$0x3], $0x80, s22, s19, $0xb8;
	[tilespmem:$0x19200] =	vst v63  }
0x61: {  	_ =	swait.ge [sflag:s17], $0x2800  }
0x62: {  	s31 =	smov.u32 s30;
	s28 =	sadd.s32 $0xA0, s28;
	[sflag:s17] =	ssyncset.done $0x0  }
0x63: {  	s0 =	sadd.s32 s29, s15;
	[sflag:s17] =	ssyncadd.s32 $0xFFFFD800  }
0x64: {  	[tilespmem:s21], [sflag:$0x3] =	stream.linear.gather [hbm4b:s0+s4], $0x50, $0x38;
	[tilespmem:$0x19200] =	vst v63  }
0x65: {  	_ =	swait.ge [sflag:s17], $0x50  }
0x66: {  	[sflag:s17] =	ssyncset.done $0x0  }
0x67: {  	s30 =	sadd.s32 s29, s14;
	[sflag:s17] =	ssyncadd.s32 $0xFFFFFFB0  }
0x68: {  	[tilespmem:s22], [sflag:$0x3] =	stream.linear.gather [hbm4b:s30+s4], $0x50, $0x38;
	[tilespmem:$0x19200] =	vst v63  }
0x69: {  	_ =	swait.ge [sflag:s17], $0x50  }
0x6a: {  	[sflag:s17] =	ssyncset.done $0x0  }
0x6b: {  	[sflag:s17] =	ssyncadd.s32 $0xFFFFFFB0  }
0x6c: {  	[tilespmem:s23], [sflag:$0x2] =	stream.indirect.gather [hbm4b:s1+s19], $0x80, s21, s19, $0xb8;
	[tilespmem:$0x19200] =	vst v63  }
0x6d: {  	_ =	swait.ge [sflag:s24], $0x2800  }
0x6e: {  	[sflag:s24] =	ssyncset.done $0x0  }
0x6f: {  	[sflag:s24] =	ssyncadd.s32 $0xFFFFD800  }
0x70: {  	[spmem:s3] =	stream.indirect.scatter.add.f32 [tilespmem:s20], [sflag:$0x3], $0x80, s18, s19, $0xb8;
	[tilespmem:$0x19200] =	vst v63  }
0x71: {  	_ =	swait.ge [sflag:s17], $0x2800  }
0x72: {  	s31 =	sshrl.u32 s28, $0x3;
	[sflag:s17] =	ssyncset.done $0x0  }
0x73: {  	s2 =	sadd.s32 s5, s31;
	[sflag:s17] =	ssyncadd.s32 $0xFFFFD800  }
0x74: {  	[tilespmem:s4], [sflag:$0x3] =	stream.linear.gather [hbm4b:s2+s4], $0x50, $0x38;
	[tilespmem:$0x19200] =	vst v63  }
0x75: {  	_ =	swait.ge [sflag:s17], $0x50  }
0x76: {  	[sflag:s17] =	ssyncset.done $0x0  }
0x77: {  	s0 =	sadd.s32 s6, s31;
	[sflag:s17] =	ssyncadd.s32 $0xFFFFFFB0  }
0x78: {  	[tilespmem:s18], [sflag:$0x3] =	stream.linear.gather [hbm4b:s0+s4], $0x50, $0x38;
	[tilespmem:$0x19200] =	vst v63  }
0x79: {  	_ =	swait.ge [sflag:s17], $0x50  }
0x7a: {  	[sflag:s17] =	ssyncset.done $0x0  }
0x7b: {  	[sflag:s17] =	ssyncadd.s32 $0xFFFFFFB0  }
0x7c: {  	[tilespmem:s20], [sflag:$0x1] =	stream.indirect.gather [hbm4b:s1+s19], $0x80, s4, s19, $0xb8;
	[tilespmem:$0x19200] =	vst v63  }
0x7d: {  	_ =	swait.ge [sflag:s25], $0x2800  }
0x7e: {  	[sflag:s25] =	ssyncset.done $0x0  }
0x7f: {  	[sflag:s25] =	ssyncadd.s32 $0xFFFFD800  }
0x80: {  	[spmem:s3] =	stream.indirect.scatter.add.f32 [tilespmem:s23], [sflag:$0x3], $0x80, s22, s19, $0xb8;
	[tilespmem:$0x19200] =	vst v63  }
0x81: {  	_ =	swait.ge [sflag:s17], $0x2800  }
0x82: {  	[sflag:s17] =	ssyncset.done $0x0  }
0x83: {  	[sflag:s17] =	ssyncadd.s32 $0xFFFFD800  }
0x84: {  	_ =	swait.ge [sflag:s24], $0x2800  }
0x85: {  	[sflag:s24] =	ssyncset.done $0x0  }
0x86: {  	[sflag:s24] =	ssyncadd.s32 $0xFFFFD800  }
0x87: {  	[spmem:s3] =	stream.indirect.scatter.add.f32 [tilespmem:s20], [sflag:$0x3], $0x80, s18, s19, $0xb8;
	[tilespmem:$0x19200] =	vst v63  }
0x88: {  	_ =	swait.ge [sflag:s17], $0x2800  }
0x89: {  	s26 =	sadd.s32 $0x1, s26;
	[sflag:s17] =	ssyncset.done $0x0  }
0x8a: {  	p0 =	sne.s32 s26, s12;
	[sflag:s17] =	ssyncadd.s32 $0xFFFFD800  }
.Ltmp1:
0x8b: {  	[bflag:$0x0] =	sbarrier.arrive $0xFFFF;
	(pc) =	sbr.rel @p0 .LBB2_1-.Ltmp1, $4  }
0x8c: {  	[hbm:s11], [sflag:s8] =	dma.local [spmem:s16], $0x2800  }
0x8d: {  	_ =	swait.ge [sflag:s17], $0x2800  }
0x8e: {  	[sflag:s17] =	ssyncset.done $0x0  }
0x8f: {  	[sflag:s17] =	ssyncadd.s32 $0xFFFFD800  }
0x90: {  	_ =	sfence.sel $0x180000  }
0x91: {  	[bflag:$0x0] =	sbarrier.arrive $0xFFFF  }
0x92: {  	_ =	strace $0x9000004D  }
0x93: {  	s0 =	stileid.u32;
	[bflag:$0x2] =	sbarrier.arrive $0xFFFF  }
0x94: {  	p0 =	sne.s32 s0, $0x0;
	s0 =	rddreg [dreg:$0x3]  }
0x95: {  	s0 =	sadd.s32 @!p0 $0x100000, s0  }
0x96: {  	[sflag:s0] =	ssyncadd.tile.s32 @!p0 $0x1;
	_ =	shalt  }
.Lfunc_end2:
_tile_overlayer_lowered:
.L_overlay_start_2:
0x97: {  	(tag) =	ssettag $0x2  }
0x98: {  	s0 =	rddreg [dreg:$0x0];
	s2 =	stileid.u32  }
0x99: {  	s1 =	rddreg [dreg:$0x1];
	p0 =	sne.s32 s2, $0x0  }
0x9a: {  	s3 =	rddreg [dreg:$0x2];
	[bflag:$0x3] =	sbarrier.arrive $0xFFFF;
	s2 =	simm.s32 @!p0 $0x1C03  }
0x9b: {  	[timem:s3], [sflag:s2] =	dma.local @!p0 [hbm:s0], s1  }
0x9c: {  	s0 =	simm.s32 @!p0 $0x3  }
0x9d: {  	_ =	swait.ge @!p0 [sflag:s0], s1  }
0x9e: {  	s1 =	ssub.s32 @!p0 $0x0, s1;
	[sflag:s0] =	ssyncset.done @!p0 $0x0  }
0x9f: {  	[sflag:s0] =	ssyncadd.s32 @!p0 s1  }
0xa0: {  	[bflag:$0x3] =	sbarrier.arrive $0xFFFF  }
0xa1: {  	_ =	shalt  }

// kernel: kernel.8.cloned.1.call-start
scs
__scs_entry_jumppad:
0x0: {  	(pc) =	sbr.rel $0x88, $3  }
0x1: {  	(tag) =	ssettag $0x0;
	lr =	simm.s32 $0x1  }
0x2: {  	[smem:$0x3F9B] =	sst lr;
	_ =	strace $0xD0000000  }
0x3: {  	_ = 	snop  }
0x4: {  	_ = 	snop  }
0x5: {  	_ = 	snop  }
0x6: {  	_ = 	snop  }
0x7: {  	_ = 	snop  }
__scs_overlays_trampoline_lowered:
0x8: {  	[smem:$0x3FAA] =	sst s0  }
0x9: {  	[smem:$0x3FAB] =	sst s1  }
0xa: {  	[smem:$0x3FAC] =	sst s2  }
0xb: {  	[smem:$0x3FAD] =	sst s3  }
0xc: {  	[smem:$0x3FAE] =	sst s4  }
0xd: {  	[smem:$0x3FAF] =	sst s5  }
0xe: {  	[smem:$0x3FB0] =	sst s6  }
0xf: {  	[smem:$0x3FB1] =	sst s7  }
0x10: {  	[smem:$0x3FB2] =	sst s8  }
0x11: {  	[smem:$0x3FB3] =	sst s9;
	s0 =	simm.s32 @!p0 $0x0  }
0x12: {  	s1 =	sld [smem:$0x3F99];
	s0 =	simm.s32 @p0 $0x1  }
0x13: {  	[smem:$0x3FB4] =	sst s0;
	s0 =	simm.s32 @!p1 $0x0  }
0x14: {  	s2 =	sld [smem:$0x3F98];
	s0 =	simm.s32 @p1 $0x1  }
0x15: {  	[smem:$0x3FB5] =	sst s0;
	s0 =	simm.s32 @!p2 $0x0  }
0x16: {  	s3 =	sld [smem:$0x3FDB];
	s0 =	simm.s32 @p2 $0x1  }
0x17: {  	s4 =	simm.s32 $0x1BF5;
	[smem:$0x3FB7] =	sst s0  }
0x18: {  	s0 =	sld [smem:$0x3F9A];
	_ =	swait.ge [sflag:s4], $0x0  }
0x19: {  	s7 =	sld [smem:$0x3F9B]  }
0x1a: {  	s8 =	sadd.s32 $0xFFFFE003, lr  }
0x1b: {  	s9 =	sadd.s32 $0xFFFFFEF7, lr;
	s5 =	simm.s32 $0xFFFFFFFF;
	p2 =	slt.u32 s8, $0xFFFFF086  }
0x1c: {  	p1 =	slt.u32 s9, $0xF7A;
	s5 =	simm.s32 @!p2 $0x0  }
0x1d: {  	s5 =	simm.s32 @p1 $0x1;
	p0 =	seq.s32 s7, s2  }
0x1e: {  	s7 =	smul.u32 @!p0 $0xF7A, s2;
	p2 =	seq.s32 @!p0 s5, $0x0  }
0x1f: {  	s9 =	smul.u32 $0xF7A, s1;
	s8 =	simm.s32 @!p0 $0x1BF5;
	p2 =	por !p2, p0  }
0x20: {  	[sflag:s8] =	ssyncset.s32 @!p0 $0xFFFFF086;
	s6 =	sadd.s32 @!p0 s3, s7;
	s7 =	simm.s32 @!p0 $0x108  }
0x21: {  	s3 =	sadd.s32 s3, s9;
	s6 =	sadd.s32 @!p0 $0x88, s6;
	s7 =	simm.s32 @p2 $0x1082  }
0x22: {  	[simem:s7], [sflag:s8] =	dma.local @!p0 [hbm:s6], $0xF7A  }
0x23: {  	s9 =	sor.u32 $0xD0000000, s2;
	s6 =	simm.s32 $0x108;
	_ =	swait.ge @!p0 [sflag:s8], $0x0  }
0x24: {  	s3 =	sadd.s32 $0x88, s3;
	s6 =	simm.s32 @!p1 $0x1082;
	[sflag:s4] =	ssyncset.s32 $0xFFFFF086  }
0x25: {  	[simem:s6], [sflag:s4] =	dma.local [hbm:s3], $0xF7A  }
0x26: {  	[smem:$0x3F9B] =	sst s1;
	(tag) =	ssettag s2;
	_ =	strace s9  }
0x27: {  	s1 =	sld [smem:$0x3FAB]  }
0x28: {  	s2 =	sld [smem:$0x3FAC]  }
0x29: {  	s4 =	sld [smem:$0x3FAE]  }
0x2a: {  	p0 =	seq.s32 s5, $0x0;
	s5 =	sld [smem:$0x3FAF]  }
0x2b: {  	s6 =	sld [smem:$0x3FB0]  }
0x2c: {  	s7 =	sld [smem:$0x3FB1]  }
0x2d: {  	s3 =	simm.s32 $0x108;
	s8 =	sld [smem:$0x3FB2]  }
0x2e: {  	s3 =	simm.s32 @!p0 $0x1082;
	s9 =	sld [smem:$0x3FB3]  }
0x2f: {  	lr =	sadd.s32 s0, s3;
	s0 =	sld [smem:$0x3FAA]  }
0x30: {  	s3 =	sld [smem:$0x3FAD]  }
0x31: {  	[smem:$0x3FB6] =	sst s10  }
0x32: {  	s10 =	sld [smem:$0x3FB4];
	_ =	sdelay $0x3  }
0x33: {  	p0 =	seq.s32 s10, $0x1;
	s10 =	sld [smem:$0x3FB6];
	_ =	sdelay $0x3  }
0x34: {  	[smem:$0x3FB6] =	sst s10  }
0x35: {  	s10 =	sld [smem:$0x3FB5];
	_ =	sdelay $0x3  }
0x36: {  	p1 =	seq.s32 s10, $0x1;
	s10 =	sld [smem:$0x3FB6];
	_ =	sdelay $0x3  }
0x37: {  	[smem:$0x3FB6] =	sst s10  }
0x38: {  	s10 =	sld [smem:$0x3FB7]  }
0x39: {  	_ = 	snop;
	(pc) =	sbr.ind lr, $3  }
0x3a: {  	_ = 	snop  }
0x3b: {  	_ = 	snop  }
0x3c: {  	p2 =	seq.s32 s10, $0x1;
	s10 =	sld [smem:$0x3FB6]  }
0x3d: {  	_ =	shalt  }
0x3e: {  	_ =	shalt  }
0x3f: {  	_ =	shalt  }
0x40: {  	_ =	shalt  }
0x41: {  	_ =	shalt  }
0x42: {  	_ =	shalt  }
0x43: {  	_ =	shalt  }
0x44: {  	_ =	shalt  }
0x45: {  	_ =	shalt  }
0x46: {  	_ =	shalt  }
0x47: {  	_ =	shalt  }
0x48: {  	_ =	shalt  }
0x49: {  	_ =	shalt  }
0x4a: {  	_ =	shalt  }
0x4b: {  	_ =	shalt  }
0x4c: {  	_ =	shalt  }
0x4d: {  	_ =	shalt  }
0x4e: {  	_ =	shalt  }
0x4f: {  	_ =	shalt  }
0x50: {  	_ =	shalt  }
0x51: {  	_ =	shalt  }
0x52: {  	_ =	shalt  }
0x53: {  	_ =	shalt  }
0x54: {  	_ =	shalt  }
0x55: {  	_ =	shalt  }
0x56: {  	_ =	shalt  }
0x57: {  	_ =	shalt  }
0x58: {  	_ =	shalt  }
0x59: {  	_ =	shalt  }
0x5a: {  	_ =	shalt  }
0x5b: {  	_ =	shalt  }
0x5c: {  	_ =	shalt  }
0x5d: {  	_ =	shalt  }
0x5e: {  	_ =	shalt  }
0x5f: {  	_ =	shalt  }
0x60: {  	_ =	shalt  }
0x61: {  	_ =	shalt  }
0x62: {  	_ =	shalt  }
0x63: {  	_ =	shalt  }
0x64: {  	_ =	shalt  }
0x65: {  	_ =	shalt  }
0x66: {  	_ =	shalt  }
0x67: {  	_ =	shalt  }
0x68: {  	_ =	shalt  }
0x69: {  	_ =	shalt  }
0x6a: {  	_ =	shalt  }
0x6b: {  	_ =	shalt  }
0x6c: {  	_ =	shalt  }
0x6d: {  	_ =	shalt  }
0x6e: {  	_ =	shalt  }
0x6f: {  	_ =	shalt  }
0x70: {  	_ =	shalt  }
0x71: {  	_ =	shalt  }
0x72: {  	_ =	shalt  }
0x73: {  	_ =	shalt  }
0x74: {  	_ =	shalt  }
0x75: {  	_ =	shalt  }
0x76: {  	_ =	shalt  }
0x77: {  	_ =	shalt  }
0x78: {  	_ =	shalt  }
0x79: {  	_ =	shalt  }
0x7a: {  	_ =	shalt  }
0x7b: {  	_ =	shalt  }
0x7c: {  	_ =	shalt  }
0x7d: {  	_ =	shalt  }
0x7e: {  	_ =	shalt  }
0x7f: {  	_ =	shalt  }
0x80: {  	_ =	shalt  }
0x81: {  	_ =	shalt  }
0x82: {  	_ =	shalt  }
0x83: {  	_ =	shalt  }
0x84: {  	_ =	shalt  }
0x85: {  	_ =	shalt  }
0x86: {  	_ =	shalt  }
0x87: {  	_ =	shalt  }
.Lfunc_end0:
.L_simem_size_0:
called_computation_lowered:
.L_overlay_start_0:
0x88: {  	s2 =	sld [smem:$0x3FD9]  }
0x89: {  	s3 =	sld [smem:$0x3FFE];
	_ =	sdelay $0x1  }
0x8a: {  	s1 =	srdreg.scid  }
0x8b: {  	s0 =	sand.u32 $0x1, s1  }
0x8c: {  	s17 =	sshll.u32 s0, $0xA;
	s2 =	sadd.s32 s3, s2  }
0x8d: {  	s2 =	sadd.s32 s2, s17  }
0x8e: {  	[smem:$0x3FC2] =	sst s2  }
0x8f: {  	_ = 	snop  }
0x90: {  	s2 =	sld [smem:$0x3FD0];
	(tm) =	ssettm $0x1  }
0x91: {  	s18 =	sld [smem:$0x3FFB];
	_ =	sdelay $0x3  }
0x92: {  	_ =	strace s18  }
0x93: {  	s3 =	sld [smem:$0x3FFC];
	_ =	sdelay $0x3  }
0x94: {  	_ =	strace s3  }
0x95: {  	s3 =	sld [smem:$0x3FFD];
	_ =	sdelay $0x3  }
0x96: {  	_ =	strace s3  }
0x97: {  	_ =	strace $0x8FFFFFFF  }
0x98: {  	s19 =	sld [smem:$0x3FDB];
	_ =	sdelay $0x1  }
0x99: {  	s4 =	simm.s32 $_scs_section_size  }
0x9a: {  	s5 =	simm.s32 $_size__tile_overlayer_lowered;
	s6 =	simm.s32 $_tile_overlayer_lowered  }
0x9b: {  	s22 =	simm.s32 $0x1BFF;
	s21 =	sshll.u32 s6, $0x1;
	s3 =	sadd.s32 s4, s19  }
0x9c: {  	s7 =	simm.s32 $0x0;
	s20 =	sshll.u32 s5, $0x1;
	s5 =	sadd.s32 s21, s3  }
0x9d: {  	[timem:s7], [sflag:s22] =	dma.local [hbm:s5], s20  }
0x9e: {  	_ =	swait.ge [sflag:s22], s20  }
0x9f: {  	s4 =	ssub.s32 $0x0, s20;
	[sflag:s22] =	ssyncset.done $0x0  }
0xa0: {  	[sflag:s22] =	ssyncadd.s32 s4;
	_ =	sdelay $0x1  }
0xa1: {  	s23 =	simm.s32 $0x1B8B  }
0xa2: {  	_ =	swait.ge [sflag:s23], $0x1  }
0xa3: {  	[sflag:s23] =	ssyncset.done $0x0  }
0xa4: {  	s25 =	simm.s32 $0x1B8E;
	s24 =	sld [smem:$0x3FFE];
	[sflag:s23] =	ssyncadd.s32 $0xFFFFFFFF  }
0xa5: {  	s26 =	simm.s32 $execute0_lowered;
	[smem:$0x3FD2] =	sst s25  }
0xa6: {  	s5 =	sshll.u32 s26, $0x1;
	_ =	strace $0x80000046;
	[dreg:$0x1] =	wrdreg $0xFFFFFFFF  }
0xa7: {  	s28 =	simm.s32 $_size_execute0_lowered;
	s3 =	sadd.s32 s3, s5;
	[dreg:$0x0] =	wrdreg $0x0  }
0xa8: {  	s5 =	sshll.u32 s28, $0x1;
	[dreg:$0x2] =	wrdreg s3  }
0xa9: {  	[dreg:$0x3] =	wrdreg s5  }
0xaa: {  	[dreg:$0x4] =	wrdreg $0xC0  }
0xab: {  	_ =	task [dreg:s7], $0x5FFFF  }
0xac: {  	[dreg:$0x1] =	wrdreg $0xFFFFFFFF  }
0xad: {  	[dreg:$0x0] =	wrdreg $0x60  }
0xae: {  	[dreg:$0x2] =	wrdreg s2  }
0xaf: {  	[dreg:$0x3] =	wrdreg s24  }
0xb0: {  	[dreg:$0x4] =	wrdreg $0x29000  }
0xb1: {  	[dreg:$0x5] =	wrdreg $0x9  }
0xb2: {  	_ =	task.clear_ibuf [dreg:s7], $0x6FFFF;
	_ =	strace $0x90000046  }
0xb3: {  	s29 =	simm.s32 $0x9;
	_ =	strace $0x80000048  }
0xb4: {  	_ =	swait.ge [sflag:s29], $0x1  }
0xb5: {  	[sflag:s29] =	ssyncadd.s32 $0xFFFFFFFF  }
0xb6: {  	_ =	strace $0x90000048  }
0xb7: {  	_ =	sfence  }
0xb8: {  	s30 =	sld [smem:$0x0];
	_ =	sdelay $0x2  }
0xb9: {  	s31 =	sshll.u32 s1, $0xD;
	s1 =	sshrl.u32 s1, $0x2  }
0xba: {  	s3 =	sand.u32 $0x4000, s31;
	s1 =	sadd.s32 s1, s30  }
0xbb: {  	s0 =	sor.u32 s3, s0;
	s1 =	sshll.u32 s1, $0x11  }
0xbc: {  	s0 =	sor.u32 s1, s0  }
0xbd: {  	s0 =	sadd.s32 $0x8F2B, s0  }
0xbe: {  	[sflag:s0] =	ssyncadd.remote.s32 $0x1  }
0xbf: {  	_ =	sfence.sel $0xFFFF  }
0xc0: {  	[dreg:$0x0] =	wrdreg $0xFFFFFFFF;
	(pc) =	sbr.abs _section_cstart, $3  }
0xc1: {  	[dreg:$0x1] =	wrdreg $0xFFFFFFFF  }
0xc2: {  	_ =	task.clear_ibuf [dreg:s7], $0x2FFFF;
	_ =	strace $0x9FFFFFFF  }
0xc3: {  	(tm) =	ssettm $0x7FFFFFFF  }
tec
execute0_lowered:
.L_overlay_start_1:
0x0: {  	(tag) =	ssettag $0x1  }
0x1: {  	s2 =	rddreg [dreg:$0x0]  }
0x2: {  	s5 =	rddreg [dreg:$0x1]  }
0x3: {  	s3 =	rddreg [dreg:$0x2]  }
0x4: {  	s0 =	rddreg [dreg:$0x3]  }
0x5: {  	s1 =	stileid.u32;
	s6 =	srdreg.scid;
	s4 =	simm.s32 $0x0  }
0x6: {  	s16 =	simm.s32 $0x1;
	s17 =	simm.s32 $0x50;
	s7 =	smul.u32 $0x14000, s1  }
0x7: {  	s18 =	simm.s32 $0x100;
	s19 =	simm.s32 $0x2;
	s25 =	smul.u32 $0x4E20, s1  }
0x8: {  	s20 =	simm.s32 $0x0;
	s6 =	sand.u32 $0x1, s6;
	s11 =	smul.u32 $0x50000, s1  }
0x9: {  	[smem:$0x7FF] =	sst s4;
	s29 =	sshll.u32 s1, $0x6;
	s8 =	smul.u32 $0x140000, s6  }
0xa: {  	_ =	strace $0x80000047;
	s9 =	smul.u32 $0x4E200, s6;
	s6 =	ssub.s32 $0x2, s6  }
0xb: {  	s10 =	sshrl.u32 s7, $0x3;
	s26 =	sshrl.u32 s6, $0x1;
	s28 =	sshrl.u32 s11, $0x2  }
0xc: {  	s7 =	sadd.s32 s7, s8;
	s10 =	sadd.s32 s10, s5;
	s13 =	ssub.s32 s6, s26  }
0xd: {  	s14 =	sadd.s32 s25, s9;
	s15 =	sadd.s32 s28, s3;
	s6 =	sor.u32 $0x1C03, s29  }
0xe: {  	s7 =	sshrl.u32 s7, $0x3;
	s30 =	sshrl.u32 s14, $0x3;
	s9 =	sadd.s32 $0x50, s14  }
0xf: {  	s12 =	sadd.s32 s7, s5;
	s5 =	sadd.s32 $0x1E00, s10;
	s7 =	sadd.s32 s2, s30  }
0x10: {  	s31 =	sshrl.u32 s9, $0x3;
	s9 =	smax.u32 s13, $0x1;
	s13 =	sshrl.u32 s15, $0x3  }
0x11: {  	s15 =	simm.s32 $0x80;
	s8 =	sadd.s32 $0x29E00, s12;
	s10 =	sadd.s32 $0x9BA, s7  }
0x12: {  	v0 =	vimm.f32 $1.000000000e+00;
	s11 =	sadd.s32 s31, s2;
	s12 =	sadd.s32 $0xA0, s14;
	s14 =	simm.s32 $0x3  }
.LBB2_1:
0x13: {  	[spmem:s13], [sflag:s6] =	dma.local [hbm:s5], $0x2800  }
0x14: {  	_ =	swait.ge [sflag:s14], $0x2800  }
0x15: {  	[sflag:s14] =	ssyncset.done $0x0  }
0x16: {  	s21 =	simm.s32 $0x0;
	s22 =	simm.s32 $0x200;
	[sflag:s14] =	ssyncadd.s32 $0xFFFFD800  }
.LBB2_2:
0x17: {  	p0 =	sne.s32 s22, $0x9E00;
	[tilespmem:s21+$0x170] =	vst v0  }
0x18: {  	[tilespmem:s21+$0x100] =	vst v0  }
0x19: {  	[tilespmem:s21+$0x110] =	vst v0  }
.Ltmp0:
0x1a: {  	[tilespmem:s21+$0x120] =	vst v0;
	(pc) =	sbr.rel @p0 .LBB2_2-.Ltmp0, $4  }
0x1b: {  	[tilespmem:s21+$0x130] =	vst v0  }
0x1c: {  	[tilespmem:s21+$0x140] =	vst v0  }
0x1d: {  	[tilespmem:s21+$0x150] =	vst v0  }
0x1e: {  	[tilespmem:s21+$0x160] =	vst v0;
	s21 =	sshra.s32 s22, $0x2;
	s22 =	sadd.s32 $0x200, s22  }
0x1f: {  	[tilespmem:s21+$0x170] =	vst v0  }
0x20: {  	[tilespmem:s21+$0x100] =	vst v0  }
0x21: {  	[tilespmem:s21+$0x110] =	vst v0  }
0x22: {  	[tilespmem:s21+$0x120] =	vst v0  }
0x23: {  	[tilespmem:s21+$0x130] =	vst v0  }
0x24: {  	[tilespmem:s21+$0x140] =	vst v0  }
0x25: {  	[tilespmem:s21+$0x150] =	vst v0  }
0x26: {  	[tilespmem:s21+$0x160] =	vst v0;
	s29 =	simm.s32 $0x0  }
0x27: {  	[tilespmem:s29], [sflag:$0x1] =	stream.linear.gather [hbm4b:s7+s29], $0x50, $0x38;
	[tilespmem:$0x16900] =	vst v63  }
0x28: {  	s30 =	sadd.s32 $0x0, s11;
	[bflag:$0x0] =	sbarrier.arrive $0xFFFF  }
0x29: {  	[tilespmem:s15], [sflag:$0x2] =	stream.linear.gather [hbm4b:s30+s4], $0x50, $0x38;
	[tilespmem:$0x16900] =	vst v63  }
0x2a: {  	_ =	swait.ge [sflag:s16], $0x50  }
0x2b: {  	[sflag:s16] =	ssyncset.done $0x0  }
0x2c: {  	[sflag:s16] =	ssyncadd.s32 $0xFFFFFFB0  }
0x2d: {  	[spmem:s3] =	stream.indirect.scatter.add.f32 [tilespmem:s18], [sflag:$0x3], $0x80, s4, s17, $0xb8;
	[tilespmem:$0x16900] =	vst v63  }
0x2e: {  	_ =	swait.ge [sflag:s14], $0x2800  }
0x2f: {  	s31 =	sshrl.u32 s12, $0x3;
	[sflag:s14] =	ssyncset.done $0x0  }
0x30: {  	s21 =	sadd.s32 s2, s31;
	[sflag:s14] =	ssyncadd.s32 $0xFFFFD800  }
0x31: {  	[tilespmem:s4], [sflag:$0x1] =	stream.linear.gather [hbm4b:s21+s4], $0x50, $0x38;
	[tilespmem:$0x16900] =	vst v63  }
0x32: {  	_ =	swait.ge [sflag:s19], $0x50  }
0x33: {  	[sflag:s19] =	ssyncset.done $0x0  }
0x34: {  	[sflag:s19] =	ssyncadd.s32 $0xFFFFFFB0  }
0x35: {  	[spmem:s3] =	stream.indirect.scatter.add.f32 [tilespmem:s18], [sflag:$0x3], $0x80, s15, s17, $0xb8;
	[tilespmem:$0x16900] =	vst v63  }
0x36: {  	s22 =	simm.s32 $0x14;
	_ =	swait.ge [sflag:s14], $0x2800  }
0x37: {  	s23 =	simm.s32 $0x28;
	s21 =	sadd.s32 $0xA0, s12;
	[sflag:s14] =	ssyncset.done $0x0  }
.LBB2_4:
0x38: {  	s24 =	sadd.s32 s22, s11  }
0x39: {  	[sflag:s14] =	ssyncadd.s32 $0xFFFFD800;
	s22 =	smov.u32 s23;
	s25 =	sadd.s32 $0x14, s23  }
0x3a: {  	[tilespmem:s15], [sflag:$0x2] =	stream.linear.gather [hbm4b:s24+s4], $0x50, $0x38;
	[tilespmem:$0x16900] =	vst v63  }
0x3b: {  	p0 =	sne.s32 s23, $0x99C;
	_ =	swait.ge [sflag:s16], $0x50  }
0x3c: {  	[sflag:s16] =	ssyncset.done $0x0  }
0x3d: {  	[sflag:s16] =	ssyncadd.s32 $0xFFFFFFB0  }
0x3e: {  	[spmem:s3] =	stream.indirect.scatter.add.f32 [tilespmem:s18], [sflag:$0x3], $0x80, s4, s17, $0xb8;
	[tilespmem:$0x16900] =	vst v63  }
0x3f: {  	_ =	swait.ge [sflag:s14], $0x2800  }
0x40: {  	s23 =	sshrl.u32 s21, $0x3;
	[sflag:s14] =	ssyncset.done $0x0  }
0x41: {  	s23 =	sadd.s32 s2, s23;
	[sflag:s14] =	ssyncadd.s32 $0xFFFFD800  }
0x42: {  	[tilespmem:s4], [sflag:$0x1] =	stream.linear.gather [hbm4b:s23+s4], $0x50, $0x38;
	[tilespmem:$0x16900] =	vst v63  }
0x43: {  	_ =	swait.ge [sflag:s19], $0x50  }
.Ltmp1:
0x44: {  	[sflag:s19] =	ssyncset.done $0x0;
	(pc) =	sbr.rel @p0 .LBB2_4-.Ltmp1, $4  }
0x45: {  	[sflag:s19] =	ssyncadd.s32 $0xFFFFFFB0  }
0x46: {  	[spmem:s3] =	stream.indirect.scatter.add.f32 [tilespmem:s18], [sflag:$0x3], $0x80, s15, s17, $0xb8;
	[tilespmem:$0x16900] =	vst v63  }
0x47: {  	_ =	swait.ge [sflag:s14], $0x2800  }
0x48: {  	s21 =	sadd.s32 $0xA0, s21;
	s23 =	smov.u32 s25;
	[sflag:s14] =	ssyncset.done $0x0  }
0x49: {  	s22 =	sadd.s32 s22, s11;
	[sflag:s14] =	ssyncadd.s32 $0xFFFFD800  }
0x4a: {  	[tilespmem:s15], [sflag:$0x2] =	stream.linear.gather [hbm4b:s22+s4], $0x50, $0x38;
	[tilespmem:$0x16900] =	vst v63  }
0x4b: {  	_ =	swait.ge [sflag:s16], $0x50  }
0x4c: {  	[sflag:s16] =	ssyncset.done $0x0  }
0x4d: {  	[sflag:s16] =	ssyncadd.s32 $0xFFFFFFB0  }
0x4e: {  	[spmem:s3] =	stream.indirect.scatter.add.f32 [tilespmem:s18], [sflag:$0x3], $0x80, s4, s17, $0xb8;
	[tilespmem:$0x16900] =	vst v63  }
0x4f: {  	_ =	swait.ge [sflag:s14], $0x2800  }
0x50: {  	s21 =	sshrl.u32 s21, $0x3;
	[sflag:s14] =	ssyncset.done $0x0  }
0x51: {  	s21 =	sadd.s32 s2, s21;
	[sflag:s14] =	ssyncadd.s32 $0xFFFFD800  }
0x52: {  	[tilespmem:s4], [sflag:$0x1] =	stream.linear.gather [hbm4b:s21+s4], $0x50, $0x38;
	[tilespmem:$0x16900] =	vst v63  }
0x53: {  	_ =	swait.ge [sflag:s19], $0x50  }
0x54: {  	[sflag:s19] =	ssyncset.done $0x0  }
0x55: {  	[sflag:s19] =	ssyncadd.s32 $0xFFFFFFB0  }
0x56: {  	[spmem:s3] =	stream.indirect.scatter.add.f32 [tilespmem:s18], [sflag:$0x3], $0x80, s15, s17, $0xb8;
	[tilespmem:$0x16900] =	vst v63  }
0x57: {  	_ =	swait.ge [sflag:s14], $0x2800  }
0x58: {  	[sflag:s14] =	ssyncset.done $0x0  }
0x59: {  	[sflag:s14] =	ssyncadd.s32 $0xFFFFD800  }
0x5a: {  	[tilespmem:s15], [sflag:$0x2] =	stream.linear.gather [hbm4b:s10+s4], $0x50, $0x38;
	[tilespmem:$0x16900] =	vst v63  }
0x5b: {  	_ =	swait.ge [sflag:s16], $0x50  }
0x5c: {  	[sflag:s16] =	ssyncset.done $0x0  }
0x5d: {  	[sflag:s16] =	ssyncadd.s32 $0xFFFFFFB0  }
0x5e: {  	[spmem:s3] =	stream.indirect.scatter.add.f32 [tilespmem:s18], [sflag:$0x3], $0x80, s4, s17, $0xb8;
	[tilespmem:$0x16900] =	vst v63  }
0x5f: {  	_ =	swait.ge [sflag:s14], $0x2800  }
0x60: {  	[sflag:s14] =	ssyncset.done $0x0  }
0x61: {  	[sflag:s14] =	ssyncadd.s32 $0xFFFFD800  }
0x62: {  	[tilespmem:s4], [sflag:$0x1] =	stream.linear.gather [hbm4b:s10+s4], $0x50, $0x38;
	[tilespmem:$0x16900] =	vst v63  }
0x63: {  	_ =	swait.ge [sflag:s19], $0x50  }
0x64: {  	[sflag:s19] =	ssyncset.done $0x0  }
0x65: {  	[sflag:s19] =	ssyncadd.s32 $0xFFFFFFB0  }
0x66: {  	[spmem:s3] =	stream.indirect.scatter.add.f32 [tilespmem:s18], [sflag:$0x3], $0x80, s15, s17, $0xb8;
	[tilespmem:$0x16900] =	vst v63  }
0x67: {  	_ =	swait.ge [sflag:s14], $0x2800  }
0x68: {  	[sflag:s14] =	ssyncset.done $0x0  }
0x69: {  	[sflag:s14] =	ssyncadd.s32 $0xFFFFD800  }
0x6a: {  	_ =	swait.ge [sflag:s16], $0x50  }
0x6b: {  	s20 =	sadd.s32 $0x1, s20;
	[sflag:s16] =	ssyncset.done $0x0  }
0x6c: {  	p0 =	sne.s32 s20, s9;
	[sflag:s16] =	ssyncadd.s32 $0xFFFFFFB0  }
.Ltmp2:
0x6d: {  	[bflag:$0x0] =	sbarrier.arrive $0xFFFF;
	(pc) =	sbr.rel @p0 .LBB2_1-.Ltmp2, $4  }
0x6e: {  	[hbm:s8], [sflag:s6] =	dma.local [spmem:s13], $0x2800  }
0x6f: {  	_ =	swait.ge [sflag:s14], $0x2800  }
0x70: {  	[sflag:s14] =	ssyncset.done $0x0  }
0x71: {  	[sflag:s14] =	ssyncadd.s32 $0xFFFFD800  }
0x72: {  	_ =	sfence.sel $0x180000  }
0x73: {  	[bflag:$0x0] =	sbarrier.arrive $0xFFFF  }
0x74: {  	p0 =	sne.s32 s1, $0x0;
	_ =	strace $0x90000047  }
0x75: {  	s0 =	sadd.s32 @!p0 $0x100000, s0;
	[bflag:$0x2] =	sbarrier.arrive $0xFFFF  }
0x76: {  	[sflag:s0] =	ssyncadd.tile.s32 @!p0 $0x1;
	_ =	shalt  }
.Lfunc_end2:
_tile_overlayer_lowered:
.L_overlay_start_2:
0x77: {  	(tag) =	ssettag $0x2  }
0x78: {  	s0 =	rddreg [dreg:$0x0];
	s2 =	stileid.u32  }
0x79: {  	s1 =	rddreg [dreg:$0x1];
	p0 =	sne.s32 s2, $0x0  }
0x7a: {  	s3 =	rddreg [dreg:$0x2];
	[bflag:$0x3] =	sbarrier.arrive $0xFFFF;
	s2 =	simm.s32 @!p0 $0x1C03  }
0x7b: {  	[timem:s3], [sflag:s2] =	dma.local @!p0 [hbm:s0], s1  }
0x7c: {  	s0 =	simm.s32 @!p0 $0x3  }
0x7d: {  	_ =	swait.ge @!p0 [sflag:s0], s1  }
0x7e: {  	s1 =	ssub.s32 @!p0 $0x0, s1;
	[sflag:s0] =	ssyncset.done @!p0 $0x0  }
0x7f: {  	[sflag:s0] =	ssyncadd.s32 @!p0 s1  }
0x80: {  	[bflag:$0x3] =	sbarrier.arrive $0xFFFF  }
0x81: {  	_ =	shalt  }

</sc_bundles>
